<compile_context>
chip_gen: v7x
topology: tpu7x:2x2x1
jax: 0.10.2.dev20260603
libtpu: 0.0.44.dev20260713+nightly
codegen_flags: <defaults>
</compile_context>

<pallas_src>
import functools

import jax
import jax.numpy as jnp
from jax.experimental import pallas as pl
from jax.experimental.pallas import tpu as pltpu
from jax.experimental.pallas import tpu_sc as plsc



def _conv2d(x, w, b, stride, pad):
    out = jax.lax.conv_general_dilated(
        x, w, (stride, stride), [(pad, pad), (pad, pad)],
        dimension_numbers=('NCHW', 'OIHW', 'NCHW'))
    if b is not None:
        out = out + b[None, :, None, None]
    return out


def _conv_transpose2d(x, w, b, stride, pad):
    w_t = jnp.transpose(w[:, :, ::-1, ::-1], (1, 0, 2, 3))
    k = w.shape[2]
    p = k - 1 - pad
    out = jax.lax.conv_general_dilated(
        x, w_t, (1, 1), [(p, p), (p, p)], lhs_dilation=(stride, stride),
        dimension_numbers=('NCHW', 'OIHW', 'NCHW'))
    if b is not None:
        out = out + b[None, :, None, None]
    return out


def _residual(x, wa, wb):
    h = jax.nn.relu(_conv2d(x, wa, None, 1, 1))
    return jax.nn.relu(_conv2d(h, wb, None, 1, 0))



_R = 512


def _vq_block_kernel(flat_ref, emb_ref, q_ref, idx_ref, minsum_ref, *,
                     n_valid):
    i = pl.program_id(0)

    @pl.when(i == 0)
    def _init():
        minsum_ref[...] = jnp.zeros_like(minsum_ref)

    f = flat_ref[...]
    e = emb_ref[...]
    rn = jnp.sum(f * f, axis=1, keepdims=True)
    en = jnp.sum(e * e, axis=1)
    mm = jax.lax.dot_general(f, e, (((1,), (1,)), ((), ())),
                             preferred_element_type=jnp.float32)
    d = rn + en[None, :] - 2.0 * mm
    minval = jnp.min(d, axis=1, keepdims=True)
    cidx = jax.lax.broadcasted_iota(jnp.int32, d.shape, 1)
    idx = jnp.min(jnp.where(d == minval, cidx, d.shape[1]), axis=1,
                  keepdims=True)
    idx_ref[...] = idx
    onehot = (cidx == idx).astype(jnp.float32)
    q_ref[...] = jax.lax.dot_general(onehot, e, (((1,), (0,)), ((), ())),
                                     preferred_element_type=jnp.float32)
    rows = i * _R + jax.lax.broadcasted_iota(jnp.int32, (_R, 1), 0)
    vmask = (rows < n_valid).astype(jnp.float32)
    minsum_ref[...] += jnp.sum(minval * vmask).reshape(1, 1)


@functools.cache
def _sc_histogram(n_chunks_a, chunk_a, n_chunks_b, chunk_b, k2,
                  n_valid_a, n_valid_b):
    info = plsc.get_sparse_core_info()
    lanes = info.num_lanes
    nsub = info.num_subcores
    nw = info.num_cores * nsub
    per_w_a = n_chunks_a * chunk_a
    per_w_b = n_chunks_b * chunk_b
    mesh = plsc.VectorSubcoreMesh(core_axis_name="c", subcore_axis_name="s")

    @functools.partial(
        pl.kernel, mesh=mesh,
        out_type=jax.ShapeDtypeStruct((nw, k2), jnp.float32),
        scratch_types=[
            pltpu.VMEM((n_chunks_a, chunk_a), jnp.int32),
            pltpu.VMEM((n_chunks_a, chunk_a), jnp.float32),
            pltpu.VMEM((n_chunks_b, chunk_b), jnp.int32),
            pltpu.VMEM((n_chunks_b, chunk_b), jnp.float32),
            pltpu.VMEM((k2,), jnp.float32),
            pltpu.VMEM((16,), jnp.float32),
            pltpu.VMEM_SHARED((nsub * k2,), jnp.float32),
        ],
    )
    def hist(idxa_hbm, vala_hbm, idxb_hbm, valb_hbm, zero_hbm, out_hbm,
             idxa_v, vala_v, idxb_v, valb_v, cnt_v, acc_v, cnt_sh):
        cid = jax.lax.axis_index("c")
        sid = jax.lax.axis_index("s")
        wid = sid * info.num_cores + cid
        pltpu.sync_copy(idxa_hbm.at[wid], idxa_v)
        pltpu.sync_copy(vala_hbm.at[wid], vala_v)
        pltpu.sync_copy(idxb_hbm.at[wid], idxb_v)
        pltpu.sync_copy(valb_hbm.at[wid], valb_v)
        off = sid * k2
        for c in range(n_chunks_a):
            for j in range(chunk_a // lanes):
                idxa_v[c, pl.ds(j * lanes, lanes)] = (
                    idxa_v[c, pl.ds(j * lanes, lanes)] + off)
        for c in range(n_chunks_b):
            for j in range(chunk_b // lanes):
                idxb_v[c, pl.ds(j * lanes, lanes)] = (
                    idxb_v[c, pl.ds(j * lanes, lanes)] + off)
        pltpu.sync_copy(zero_hbm, cnt_sh.at[pl.ds(off, k2)])
        for c in range(n_chunks_a):
            pltpu.sync_copy(vala_v.at[c], cnt_sh.at[idxa_v.at[c]], add=True)
        for c in range(n_chunks_b):
            pltpu.sync_copy(valb_v.at[c], cnt_sh.at[idxb_v.at[c]], add=True)
        pl.delay(1 << 16)
        pltpu.sync_copy(cnt_sh.at[pl.ds(off, k2)], cnt_v)
        pltpu.sync_copy(cnt_v, out_hbm.at[wid])

    return hist


_NW = 32


def _hist_slices(idx2, n, offset):
    n_p = idx2.shape[0]
    per_w = n_p // _NW
    if per_w <= 128:
        chunk = per_w
    else:
        chunk = next(c for c in range(96, 7, -8) if per_w % c == 0)
    n_chunks = per_w // chunk
    idx3 = idx2.reshape(_NW, n_chunks, chunk) + offset
    val3 = (jnp.arange(n_p, dtype=jnp.int32) < n).astype(jnp.float32).reshape(
        _NW, n_chunks, chunk)
    return idx3, val3, n_chunks, chunk


def _vq_quantize(flat, emb):
    n, dim = flat.shape
    k = emb.shape[0]
    npad = (-n) % _R
    flat_p = jnp.pad(flat, ((0, npad), (0, 0)))
    n_p = n + npad
    q, idx2, minsum = pl.pallas_call(
        functools.partial(_vq_block_kernel, n_valid=n),
        grid=(n_p // _R,),
        in_specs=[pl.BlockSpec((_R, dim), lambda i: (i, 0)),
                  pl.BlockSpec((k, dim), lambda i: (0, 0))],
        out_specs=[pl.BlockSpec((_R, dim), lambda i: (i, 0)),
                   pl.BlockSpec((_R, 1), lambda i: (i, 0)),
                   pl.BlockSpec((1, 1), lambda i: (0, 0))],
        out_shape=[jax.ShapeDtypeStruct((n_p, dim), jnp.float32),
                   jax.ShapeDtypeStruct((n_p, 1), jnp.int32),
                   jax.ShapeDtypeStruct((1, 1), jnp.float32)],
    )(flat_p, emb)
    return q[:n], minsum[0, 0], idx2


def _vq(z, emb):
    x = jnp.transpose(z, (0, 2, 3, 1))
    shp = x.shape
    flat = x.reshape(-1, emb.shape[1])
    n = flat.shape[0]
    q, minsum, idx2 = _vq_quantize(flat, emb)
    loss = 1.25 * (minsum / (n * emb.shape[1]))
    qr = q.reshape(shp)
    q_st = x + (qr - x)
    return loss, jnp.transpose(q_st, (0, 3, 1, 2)), idx2, n


def _perplexities(idx_top, n_top, idx_bot, n_bot, k):
    ia, va, nca, ca = _hist_slices(idx_top, n_top, 0)
    ib, vb, ncb, cb = _hist_slices(idx_bot, n_bot, k)
    hist = _sc_histogram(nca, ca, ncb, cb, 2 * k, n_top, n_bot)(
        ia, va, ib, vb, jnp.zeros((2 * k,), jnp.float32))
    counts = jnp.sum(hist, axis=0)

    def perp(c, n):
        avg = c / n
        return jnp.exp(-jnp.sum(avg * jnp.log(avg + 1e-10)))

    return perp(counts[:k], n_top), perp(counts[k:], n_bot)



def kernel(x, params):
    p = params
    h = jax.nn.relu(_conv2d(x, p['eb_c1_w'], p['eb_c1_b'], 2, 1))
    h = jax.nn.relu(_conv2d(h, p['eb_c2_w'], p['eb_c2_b'], 2, 1))
    h = jax.nn.relu(_conv2d(h, p['eb_c3_w'], p['eb_c3_b'], 1, 1))
    h = _residual(h, p['eb_r1a_w'], p['eb_r1b_w'])
    z_bottom = _residual(h, p['eb_r2a_w'], p['eb_r2b_w'])
    h = jax.nn.relu(_conv2d(z_bottom, p['et_c1_w'], p['et_c1_b'], 2, 1))
    h = jax.nn.relu(_conv2d(h, p['et_c2_w'], p['et_c2_b'], 1, 1))
    h = _residual(h, p['et_r1a_w'], p['et_r1b_w'])
    z_top = _residual(h, p['et_r2a_w'], p['et_r2b_w'])
    loss_top, q_top, idx_top, n_top = _vq(
        _conv2d(z_top, p['pvt_w'], p['pvt_b'], 1, 0), p['emb_top'])
    h = _conv2d(q_top, p['dt_c1_w'], p['dt_c1_b'], 1, 1)
    h = _residual(h, p['dt_r1a_w'], p['dt_r1b_w'])
    h = _residual(h, p['dt_r2a_w'], p['dt_r2b_w'])
    rec_top = _conv_transpose2d(h, p['dt_t1_w'], p['dt_t1_b'], 2, 1)
    zb = jnp.concatenate([rec_top, z_bottom], axis=1)
    loss_bottom, q_bot, idx_bot, n_bot = _vq(
        _conv2d(zb, p['pvb_w'], p['pvb_b'], 1, 0), p['emb_bot'])
    pt, pb = _perplexities(idx_top, n_top, idx_bot, n_bot,
                           p['emb_top'].shape[0])
    up = _conv_transpose2d(q_top, p['up_w'], p['up_b'], 2, 1)
    quantized = jnp.concatenate([up, q_bot], axis=1)
    h = _conv2d(quantized, p['db_c1_w'], p['db_c1_b'], 1, 1)
    h = _residual(h, p['db_r1a_w'], p['db_r1b_w'])
    h = _residual(h, p['db_r2a_w'], p['db_r2b_w'])
    h = jax.nn.relu(_conv_transpose2d(h, p['db_t1_w'], p['db_t1_b'], 2, 1))
    x_rec = _conv_transpose2d(h, p['db_t2_w'], p['db_t2_b'], 2, 1)
    return loss_top + loss_bottom, x_rec, pt + pb, quantized

# --- scband reference (transcript-rebuilt; emitter-appended) ---
"""Pipeline reference for scband-vqvae2-29635274343091 (READ-ONLY COPY).

The authoritative reference and input builder live on the scoring server;
editing this copy changes nothing except your own understanding.
"""

import jax, jax.numpy as jnp
import numpy as np


def conv2d(x, w, b, stride, pad):
    out = jax.lax.conv_general_dilated(x, w, (stride, stride), [(pad, pad), (pad, pad)], dimension_numbers=('NCHW', 'OIHW', 'NCHW'))
    if b is not None:
        out = out + b[None, :, None, None]
    return out


def conv_transpose2d(x, w, b, stride, pad):
    # w in torch ConvTranspose2d layout [in, out, kh, kw]
    w_t = jnp.transpose(w[:, :, ::-1, ::-1], (1, 0, 2, 3))
    k = w.shape[2]
    p = k - 1 - pad
    out = jax.lax.conv_general_dilated(x, w_t, (1, 1), [(p, p), (p, p)], lhs_dilation=(stride, stride), dimension_numbers=('NCHW', 'OIHW', 'NCHW'))
    if b is not None:
        out = out + b[None, :, None, None]
    return out


def residual(x, wa, wb):
    # VQVAE2Residual: conv3x3(128->32) ReLU conv1x1(32->128) ReLU (no skip in original code)
    h = jax.nn.relu(conv2d(x, wa, None, 1, 1))
    return jax.nn.relu(conv2d(h, wb, None, 1, 0))


def vq(z, emb):
    x = jnp.transpose(z, (0, 2, 3, 1))
    shp = x.shape
    flat = x.reshape(-1, emb.shape[1])
    d = jnp.sum(flat ** 2, axis=1, keepdims=True) + jnp.sum(emb ** 2, axis=1) - 2.0 * (flat @ emb.T)
    idx = jnp.argmin(d, axis=1)
    enc = jax.nn.one_hot(idx, emb.shape[0], dtype=flat.dtype)
    q = (enc @ emb).reshape(shp)
    e_loss = jnp.mean((jax.lax.stop_gradient(q) - x) ** 2)
    q_loss = jnp.mean((q - jax.lax.stop_gradient(x)) ** 2)
    loss = q_loss + 0.25 * e_loss
    q_st = x + jax.lax.stop_gradient(q - x)
    avg = jnp.mean(enc, axis=0)
    perp = jnp.exp(-jnp.sum(avg * jnp.log(avg + 1e-10)))
    return loss, jnp.transpose(q_st, (0, 3, 1, 2)), perp, enc


def forward(x, p):
    h = jax.nn.relu(conv2d(x, p['eb_c1_w'], p['eb_c1_b'], 2, 1))
    h = jax.nn.relu(conv2d(h, p['eb_c2_w'], p['eb_c2_b'], 2, 1))
    h = jax.nn.relu(conv2d(h, p['eb_c3_w'], p['eb_c3_b'], 1, 1))
    h = residual(h, p['eb_r1a_w'], p['eb_r1b_w'])
    z_bottom = residual(h, p['eb_r2a_w'], p['eb_r2b_w'])
    h = jax.nn.relu(conv2d(z_bottom, p['et_c1_w'], p['et_c1_b'], 2, 1))
    h = jax.nn.relu(conv2d(h, p['et_c2_w'], p['et_c2_b'], 1, 1))
    h = residual(h, p['et_r1a_w'], p['et_r1b_w'])
    z_top = residual(h, p['et_r2a_w'], p['et_r2b_w'])
    loss_top, q_top, pt, et = vq(conv2d(z_top, p['pvt_w'], p['pvt_b'], 1, 0), p['emb_top'])
    h = conv2d(q_top, p['dt_c1_w'], p['dt_c1_b'], 1, 1)
    h = residual(h, p['dt_r1a_w'], p['dt_r1b_w'])
    h = residual(h, p['dt_r2a_w'], p['dt_r2b_w'])
    rec_top = conv_transpose2d(h, p['dt_t1_w'], p['dt_t1_b'], 2, 1)
    zb = jnp.concatenate([rec_top, z_bottom], axis=1)
    loss_bottom, q_bot, pb, eb = vq(conv2d(zb, p['pvb_w'], p['pvb_b'], 1, 0), p['emb_bot'])
    up = conv_transpose2d(q_top, p['up_w'], p['up_b'], 2, 1)
    quantized = jnp.concatenate([up, q_bot], axis=1)
    h = conv2d(quantized, p['db_c1_w'], p['db_c1_b'], 1, 1)
    h = residual(h, p['db_r1a_w'], p['db_r1b_w'])
    h = residual(h, p['db_r2a_w'], p['db_r2b_w'])
    h = jax.nn.relu(conv_transpose2d(h, p['db_t1_w'], p['db_t1_b'], 2, 1))
    x_rec = conv_transpose2d(h, p['db_t2_w'], p['db_t2_b'], 2, 1)
    return loss_top + loss_bottom, x_rec, pt + pb, quantized


WEIGHT_SPECS = {
    'eb_c1_w': (64, 1, 4, 4), 'eb_c2_w': (128, 64, 4, 4), 'eb_c3_w': (128, 128, 3, 3),
    'eb_r1a_w': (32, 128, 3, 3), 'eb_r1b_w': (128, 32, 1, 1), 'eb_r2a_w': (32, 128, 3, 3), 'eb_r2b_w': (128, 32, 1, 1),
    'et_c1_w': (64, 128, 3, 3), 'et_c2_w': (128, 64, 3, 3),
    'et_r1a_w': (32, 128, 3, 3), 'et_r1b_w': (128, 32, 1, 1), 'et_r2a_w': (32, 128, 3, 3), 'et_r2b_w': (128, 32, 1, 1),
    'pvt_w': (64, 128, 1, 1),
    'dt_c1_w': (128, 64, 3, 3),
    'dt_r1a_w': (32, 128, 3, 3), 'dt_r1b_w': (128, 32, 1, 1), 'dt_r2a_w': (32, 128, 3, 3), 'dt_r2b_w': (128, 32, 1, 1),
    'dt_t1_w': (128, 64, 3, 3),
    'pvb_w': (64, 192, 1, 1),
    'up_w': (64, 64, 3, 3),
    'db_c1_w': (128, 128, 3, 3),
    'db_r1a_w': (32, 128, 3, 3), 'db_r1b_w': (128, 32, 1, 1), 'db_r2a_w': (32, 128, 3, 3), 'db_r2b_w': (128, 32, 1, 1),
    'db_t1_w': (128, 64, 4, 4), 'db_t2_w': (64, 1, 4, 4),
}
BIAS_SPECS = {'eb_c1_b': 64, 'eb_c2_b': 128, 'eb_c3_b': 128, 'et_c1_b': 64, 'et_c2_b': 128, 'pvt_b': 64, 'dt_c1_b': 128, 'dt_t1_b': 64, 'pvb_b': 64, 'up_b': 64, 'db_c1_b': 128, 'db_t1_b': 64, 'db_t2_b': 1}


def setup_inputs(seed: int = 0) -> dict:
    key = jax.random.key(seed)
    x = jax.random.normal(jax.random.fold_in(key, 0), (4, 1, 220, 220), dtype=jnp.float32)
    params = {}
    i = 1
    for name, shp in WEIGHT_SPECS.items():
        params[name] = jax.random.normal(jax.random.fold_in(key, i), shp, dtype=jnp.float32) * 0.05
        i += 1
    for name, n in BIAS_SPECS.items():
        params[name] = jnp.zeros((n,), jnp.float32)
    params['emb_top'] = jax.random.uniform(jax.random.fold_in(key, 100), (512, 64), minval=-1.0 / 512, maxval=1.0 / 512, dtype=jnp.float32)
    params['emb_bot'] = jax.random.uniform(jax.random.fold_in(key, 101), (512, 64), minval=-1.0 / 512, maxval=1.0 / 512, dtype=jnp.float32)
    return {'x': x, 'params': params}


def reference(x, params):
    return forward(x, params)

if __name__ == "__main__":
    import jax
    _d = setup_inputs()
    print(jax.jit(kernel)(*tuple(_d.values())))

</pallas_src>

<mosaic_0001>
#map = affine_map<(d0, d1) -> (0, 0, 0)>
#map1 = affine_map<(d0, d1) -> (0)>
#map2 = affine_map<(d0, d1) -> (0, 0)>
module attributes {stable_mosaic.version = 14 : i64} {
  func.func @hist(%arg0: i32, %arg1: i32, %arg2: memref<32x1x112xi32, #tpu.memory_space<hbm>>, %arg3: memref<32x1x112xf32, #tpu.memory_space<hbm>>, %arg4: memref<32x4x96xi32, #tpu.memory_space<hbm>>, %arg5: memref<32x4x96xf32, #tpu.memory_space<hbm>>, %arg6: memref<1024xf32, #tpu.memory_space<hbm>>, %arg7: memref<32x1024xf32, #tpu.memory_space<hbm>>, %arg8: memref<1x112xi32, #tpu.memory_space<vmem>>, %arg9: memref<1x112xf32, #tpu.memory_space<vmem>>, %arg10: memref<4x96xi32, #tpu.memory_space<vmem>>, %arg11: memref<4x96xf32, #tpu.memory_space<vmem>>, %arg12: memref<1024xf32, #tpu.memory_space<vmem>>, %arg13: memref<16xf32, #tpu.memory_space<vmem>>, %arg14: memref<16384xf32, #tpu.memory_space<vmem_shared>>) attributes {dimension_semantics = [#tpu.dimension_semantics<core_parallel>, #tpu.dimension_semantics<subcore_parallel>], iteration_bounds = array<i64: 2, 16>, scalar_prefetch = 0 : i64, scratch_operands = 7 : i64, tpu.core_type = #tpu.core_type<sc_vector_subcore>, window_params = [{transform_indices = #map}, {transform_indices = #map}, {transform_indices = #map}, {transform_indices = #map}, {transform_indices = #map1}, {transform_indices = #map2}]} {
    %mul3A = arith.constant 2 : i32
    %mul3A_0 = arith.muli %arg1, %mul3A : i32
    %add3A = arith.addi %mul3A_0, %arg0 : i32
    "tpu.region"() ({
      %run_scoped3A_413 = tpu.sem_alloc : memref<!tpu.dma_semaphore, #tpu.memory_space<semaphore_mem>>
      %dma_start3A = arith.constant 0 : i32
      %dma_start3A_414 = arith.constant 0 : i32
      %dma_start3A_415 = tpu.memref_slice %arg2[%add3A, %dma_start3A, %dma_start3A_414] : memref<32x1x112xi32, #tpu.memory_space<hbm>> -> memref<1x1x112xi32, #tpu.memory_space<hbm>>
      %dma_start3A_416 = tpu.memref_squeeze %dma_start3A_415 : memref<1x1x112xi32, #tpu.memory_space<hbm>> -> memref<1x112xi32, #tpu.memory_space<hbm>>
      %dma_start3A_417 = arith.constant 0 : i32
      %dma_start3A_418 = arith.constant 0 : i32
      %dma_start3A_419 = tpu.memref_slice %arg2[%add3A, %dma_start3A_417, %dma_start3A_418] : memref<32x1x112xi32, #tpu.memory_space<hbm>> -> memref<1x1x112xi32, #tpu.memory_space<hbm>>
      %dma_start3A_420 = tpu.memref_squeeze %dma_start3A_419 : memref<1x1x112xi32, #tpu.memory_space<hbm>> -> memref<1x112xi32, #tpu.memory_space<hbm>>
      tpu.enqueue_dma source(%dma_start3A_420 : memref<1x112xi32, #tpu.memory_space<hbm>>) target(%arg8 : memref<1x112xi32, #tpu.memory_space<vmem>>) target_semaphore(%run_scoped3A_413 : memref<!tpu.dma_semaphore, #tpu.memory_space<semaphore_mem>>)
      %dma_wait3A = arith.constant 0 : i32
      %dma_wait3A_421 = arith.constant 0 : i32
      %dma_wait3A_422 = tpu.memref_slice %arg2[%add3A, %dma_wait3A, %dma_wait3A_421] : memref<32x1x112xi32, #tpu.memory_space<hbm>> -> memref<1x1x112xi32, #tpu.memory_space<hbm>>
      %dma_wait3A_423 = tpu.memref_squeeze %dma_wait3A_422 : memref<1x1x112xi32, #tpu.memory_space<hbm>> -> memref<1x112xi32, #tpu.memory_space<hbm>>
      %dma_wait3A_424 = arith.constant 0 : i32
      %dma_wait3A_425 = arith.constant 0 : i32
      %dma_wait3A_426 = tpu.memref_slice %arg2[%add3A, %dma_wait3A_424, %dma_wait3A_425] : memref<32x1x112xi32, #tpu.memory_space<hbm>> -> memref<1x1x112xi32, #tpu.memory_space<hbm>>
      %dma_wait3A_427 = tpu.memref_squeeze %dma_wait3A_426 : memref<1x1x112xi32, #tpu.memory_space<hbm>> -> memref<1x112xi32, #tpu.memory_space<hbm>>
      tpu.wait_dma2 semaphore(%run_scoped3A_413 : memref<!tpu.dma_semaphore, #tpu.memory_space<semaphore_mem>>) src(%dma_wait3A_427 : memref<1x112xi32, #tpu.memory_space<hbm>>) dst(%arg8 : memref<1x112xi32, #tpu.memory_space<vmem>>)
      tpu.yield
    }) : () -> ()
    "tpu.region"() ({
      %run_scoped3A_413 = tpu.sem_alloc : memref<!tpu.dma_semaphore, #tpu.memory_space<semaphore_mem>>
      %dma_start3A = arith.constant 0 : i32
      %dma_start3A_414 = arith.constant 0 : i32
      %dma_start3A_415 = tpu.memref_slice %arg3[%add3A, %dma_start3A, %dma_start3A_414] : memref<32x1x112xf32, #tpu.memory_space<hbm>> -> memref<1x1x112xf32, #tpu.memory_space<hbm>>
      %dma_start3A_416 = tpu.memref_squeeze %dma_start3A_415 : memref<1x1x112xf32, #tpu.memory_space<hbm>> -> memref<1x112xf32, #tpu.memory_space<hbm>>
      %dma_start3A_417 = arith.constant 0 : i32
      %dma_start3A_418 = arith.constant 0 : i32
      %dma_start3A_419 = tpu.memref_slice %arg3[%add3A, %dma_start3A_417, %dma_start3A_418] : memref<32x1x112xf32, #tpu.memory_space<hbm>> -> memref<1x1x112xf32, #tpu.memory_space<hbm>>
      %dma_start3A_420 = tpu.memref_squeeze %dma_start3A_419 : memref<1x1x112xf32, #tpu.memory_space<hbm>> -> memref<1x112xf32, #tpu.memory_space<hbm>>
      tpu.enqueue_dma source(%dma_start3A_420 : memref<1x112xf32, #tpu.memory_space<hbm>>) target(%arg9 : memref<1x112xf32, #tpu.memory_space<vmem>>) target_semaphore(%run_scoped3A_413 : memref<!tpu.dma_semaphore, #tpu.memory_space<semaphore_mem>>)
      %dma_wait3A = arith.constant 0 : i32
      %dma_wait3A_421 = arith.constant 0 : i32
      %dma_wait3A_422 = tpu.memref_slice %arg3[%add3A, %dma_wait3A, %dma_wait3A_421] : memref<32x1x112xf32, #tpu.memory_space<hbm>> -> memref<1x1x112xf32, #tpu.memory_space<hbm>>
      %dma_wait3A_423 = tpu.memref_squeeze %dma_wait3A_422 : memref<1x1x112xf32, #tpu.memory_space<hbm>> -> memref<1x112xf32, #tpu.memory_space<hbm>>
      %dma_wait3A_424 = arith.constant 0 : i32
      %dma_wait3A_425 = arith.constant 0 : i32
      %dma_wait3A_426 = tpu.memref_slice %arg3[%add3A, %dma_wait3A_424, %dma_wait3A_425] : memref<32x1x112xf32, #tpu.memory_space<hbm>> -> memref<1x1x112xf32, #tpu.memory_space<hbm>>
      %dma_wait3A_427 = tpu.memref_squeeze %dma_wait3A_426 : memref<1x1x112xf32, #tpu.memory_space<hbm>> -> memref<1x112xf32, #tpu.memory_space<hbm>>
      tpu.wait_dma2 semaphore(%run_scoped3A_413 : memref<!tpu.dma_semaphore, #tpu.memory_space<semaphore_mem>>) src(%dma_wait3A_427 : memref<1x112xf32, #tpu.memory_space<hbm>>) dst(%arg9 : memref<1x112xf32, #tpu.memory_space<vmem>>)
      tpu.yield
    }) : () -> ()
    "tpu.region"() ({
      %run_scoped3A_413 = tpu.sem_alloc : memref<!tpu.dma_semaphore, #tpu.memory_space<semaphore_mem>>
      %dma_start3A = arith.constant 0 : i32
      %dma_start3A_414 = arith.constant 0 : i32
      %dma_start3A_415 = tpu.memref_slice %arg4[%add3A, %dma_start3A, %dma_start3A_414] : memref<32x4x96xi32, #tpu.memory_space<hbm>> -> memref<1x4x96xi32, #tpu.memory_space<hbm>>
      %dma_start3A_416 = tpu.memref_squeeze %dma_start3A_415 : memref<1x4x96xi32, #tpu.memory_space<hbm>> -> memref<4x96xi32, #tpu.memory_space<hbm>>
      %dma_start3A_417 = arith.constant 0 : i32
      %dma_start3A_418 = arith.constant 0 : i32
      %dma_start3A_419 = tpu.memref_slice %arg4[%add3A, %dma_start3A_417, %dma_start3A_418] : memref<32x4x96xi32, #tpu.memory_space<hbm>> -> memref<1x4x96xi32, #tpu.memory_space<hbm>>
      %dma_start3A_420 = tpu.memref_squeeze %dma_start3A_419 : memref<1x4x96xi32, #tpu.memory_space<hbm>> -> memref<4x96xi32, #tpu.memory_space<hbm>>
      tpu.enqueue_dma source(%dma_start3A_420 : memref<4x96xi32, #tpu.memory_space<hbm>>) target(%arg10 : memref<4x96xi32, #tpu.memory_space<vmem>>) target_semaphore(%run_scoped3A_413 : memref<!tpu.dma_semaphore, #tpu.memory_space<semaphore_mem>>)
      %dma_wait3A = arith.constant 0 : i32
      %dma_wait3A_421 = arith.constant 0 : i32
      %dma_wait3A_422 = tpu.memref_slice %arg4[%add3A, %dma_wait3A, %dma_wait3A_421] : memref<32x4x96xi32, #tpu.memory_space<hbm>> -> memref<1x4x96xi32, #tpu.memory_space<hbm>>
      %dma_wait3A_423 = tpu.memref_squeeze %dma_wait3A_422 : memref<1x4x96xi32, #tpu.memory_space<hbm>> -> memref<4x96xi32, #tpu.memory_space<hbm>>
      %dma_wait3A_424 = arith.constant 0 : i32
      %dma_wait3A_425 = arith.constant 0 : i32
      %dma_wait3A_426 = tpu.memref_slice %arg4[%add3A, %dma_wait3A_424, %dma_wait3A_425] : memref<32x4x96xi32, #tpu.memory_space<hbm>> -> memref<1x4x96xi32, #tpu.memory_space<hbm>>
      %dma_wait3A_427 = tpu.memref_squeeze %dma_wait3A_426 : memref<1x4x96xi32, #tpu.memory_space<hbm>> -> memref<4x96xi32, #tpu.memory_space<hbm>>
      tpu.wait_dma2 semaphore(%run_scoped3A_413 : memref<!tpu.dma_semaphore, #tpu.memory_space<semaphore_mem>>) src(%dma_wait3A_427 : memref<4x96xi32, #tpu.memory_space<hbm>>) dst(%arg10 : memref<4x96xi32, #tpu.memory_space<vmem>>)
      tpu.yield
    }) : () -> ()
    "tpu.region"() ({
      %run_scoped3A_413 = tpu.sem_alloc : memref<!tpu.dma_semaphore, #tpu.memory_space<semaphore_mem>>
      %dma_start3A = arith.constant 0 : i32
      %dma_start3A_414 = arith.constant 0 : i32
      %dma_start3A_415 = tpu.memref_slice %arg5[%add3A, %dma_start3A, %dma_start3A_414] : memref<32x4x96xf32, #tpu.memory_space<hbm>> -> memref<1x4x96xf32, #tpu.memory_space<hbm>>
      %dma_start3A_416 = tpu.memref_squeeze %dma_start3A_415 : memref<1x4x96xf32, #tpu.memory_space<hbm>> -> memref<4x96xf32, #tpu.memory_space<hbm>>
      %dma_start3A_417 = arith.constant 0 : i32
      %dma_start3A_418 = arith.constant 0 : i32
      %dma_start3A_419 = tpu.memref_slice %arg5[%add3A, %dma_start3A_417, %dma_start3A_418] : memref<32x4x96xf32, #tpu.memory_space<hbm>> -> memref<1x4x96xf32, #tpu.memory_space<hbm>>
      %dma_start3A_420 = tpu.memref_squeeze %dma_start3A_419 : memref<1x4x96xf32, #tpu.memory_space<hbm>> -> memref<4x96xf32, #tpu.memory_space<hbm>>
      tpu.enqueue_dma source(%dma_start3A_420 : memref<4x96xf32, #tpu.memory_space<hbm>>) target(%arg11 : memref<4x96xf32, #tpu.memory_space<vmem>>) target_semaphore(%run_scoped3A_413 : memref<!tpu.dma_semaphore, #tpu.memory_space<semaphore_mem>>)
      %dma_wait3A = arith.constant 0 : i32
      %dma_wait3A_421 = arith.constant 0 : i32
      %dma_wait3A_422 = tpu.memref_slice %arg5[%add3A, %dma_wait3A, %dma_wait3A_421] : memref<32x4x96xf32, #tpu.memory_space<hbm>> -> memref<1x4x96xf32, #tpu.memory_space<hbm>>
      %dma_wait3A_423 = tpu.memref_squeeze %dma_wait3A_422 : memref<1x4x96xf32, #tpu.memory_space<hbm>> -> memref<4x96xf32, #tpu.memory_space<hbm>>
      %dma_wait3A_424 = arith.constant 0 : i32
      %dma_wait3A_425 = arith.constant 0 : i32
      %dma_wait3A_426 = tpu.memref_slice %arg5[%add3A, %dma_wait3A_424, %dma_wait3A_425] : memref<32x4x96xf32, #tpu.memory_space<hbm>> -> memref<1x4x96xf32, #tpu.memory_space<hbm>>
      %dma_wait3A_427 = tpu.memref_squeeze %dma_wait3A_426 : memref<1x4x96xf32, #tpu.memory_space<hbm>> -> memref<4x96xf32, #tpu.memory_space<hbm>>
      tpu.wait_dma2 semaphore(%run_scoped3A_413 : memref<!tpu.dma_semaphore, #tpu.memory_space<semaphore_mem>>) src(%dma_wait3A_427 : memref<4x96xf32, #tpu.memory_space<hbm>>) dst(%arg11 : memref<4x96xf32, #tpu.memory_space<vmem>>)
      tpu.yield
    }) : () -> ()
    %mul3A_1 = arith.constant 1024 : i32
    %mul3A_2 = arith.muli %arg1, %mul3A_1 : i32
    %get3A = arith.constant 0 : i32
    %get3A_3 = arith.index_cast %get3A : i32 to index
    %get3A_4 = arith.constant 0 : index
    %get3A_5 = tpu.vector_load %arg8[%get3A_3, %get3A_4] {strides = array<i32>} : memref<1x112xi32, #tpu.memory_space<vmem>>, vector<1x16xi32>,
    %get3A_6 = vector.shape_cast %get3A_5 : vector<1x16xi32> to vector<16xi32>
    %add3A_7 = vector.broadcast %mul3A_2 : i32 to vector<16xi32>
    %add3A_8 = arith.addi %get3A_6, %add3A_7 : vector<16xi32>
    %swap3A = arith.constant 0 : i32
    %swap3A_9 = arith.index_cast %swap3A : i32 to index
    %swap3A_10 = arith.constant 0 : index
    %swap3A_11 = tpu.vector_load %arg8[%swap3A_9, %swap3A_10] {strides = array<i32>} : memref<1x112xi32, #tpu.memory_space<vmem>>, vector<1x16xi32>,
    %swap3A_12 = vector.shape_cast %swap3A_11 : vector<1x16xi32> to vector<16xi32>
    %swap3A_13 = vector.shape_cast %add3A_8 : vector<16xi32> to vector<1x16xi32>
    tpu.vector_store %arg8[%swap3A_9, %swap3A_10], %swap3A_13 {strides = array<i32>} : memref<1x112xi32, #tpu.memory_space<vmem>>, vector<1x16xi32>,
    %get3A_14 = arith.constant 0 : i32
    %get3A_15 = arith.index_cast %get3A_14 : i32 to index
    %get3A_16 = arith.constant 16 : index
    %get3A_17 = tpu.vector_load %arg8[%get3A_15, %get3A_16] {strides = array<i32>} : memref<1x112xi32, #tpu.memory_space<vmem>>, vector<1x16xi32>,
    %get3A_18 = vector.shape_cast %get3A_17 : vector<1x16xi32> to vector<16xi32>
    %add3A_19 = vector.broadcast %mul3A_2 : i32 to vector<16xi32>
    %add3A_20 = arith.addi %get3A_18, %add3A_19 : vector<16xi32>
    %swap3A_21 = arith.constant 0 : i32
    %swap3A_22 = arith.index_cast %swap3A_21 : i32 to index
    %swap3A_23 = arith.constant 16 : index
    %swap3A_24 = tpu.vector_load %arg8[%swap3A_22, %swap3A_23] {strides = array<i32>} : memref<1x112xi32, #tpu.memory_space<vmem>>, vector<1x16xi32>,
    %swap3A_25 = vector.shape_cast %swap3A_24 : vector<1x16xi32> to vector<16xi32>
    %swap3A_26 = vector.shape_cast %add3A_20 : vector<16xi32> to vector<1x16xi32>
    tpu.vector_store %arg8[%swap3A_22, %swap3A_23], %swap3A_26 {strides = array<i32>} : memref<1x112xi32, #tpu.memory_space<vmem>>, vector<1x16xi32>,
    %get3A_27 = arith.constant 0 : i32
    %get3A_28 = arith.index_cast %get3A_27 : i32 to index
    %get3A_29 = arith.constant 32 : index
    %get3A_30 = tpu.vector_load %arg8[%get3A_28, %get3A_29] {strides = array<i32>} : memref<1x112xi32, #tpu.memory_space<vmem>>, vector<1x16xi32>,
    %get3A_31 = vector.shape_cast %get3A_30 : vector<1x16xi32> to vector<16xi32>
    %add3A_32 = vector.broadcast %mul3A_2 : i32 to vector<16xi32>
    %add3A_33 = arith.addi %get3A_31, %add3A_32 : vector<16xi32>
    %swap3A_34 = arith.constant 0 : i32
    %swap3A_35 = arith.index_cast %swap3A_34 : i32 to index
    %swap3A_36 = arith.constant 32 : index
    %swap3A_37 = tpu.vector_load %arg8[%swap3A_35, %swap3A_36] {strides = array<i32>} : memref<1x112xi32, #tpu.memory_space<vmem>>, vector<1x16xi32>,
    %swap3A_38 = vector.shape_cast %swap3A_37 : vector<1x16xi32> to vector<16xi32>
    %swap3A_39 = vector.shape_cast %add3A_33 : vector<16xi32> to vector<1x16xi32>
    tpu.vector_store %arg8[%swap3A_35, %swap3A_36], %swap3A_39 {strides = array<i32>} : memref<1x112xi32, #tpu.memory_space<vmem>>, vector<1x16xi32>,
    %get3A_40 = arith.constant 0 : i32
    %get3A_41 = arith.index_cast %get3A_40 : i32 to index
    %get3A_42 = arith.constant 48 : index
    %get3A_43 = tpu.vector_load %arg8[%get3A_41, %get3A_42] {strides = array<i32>} : memref<1x112xi32, #tpu.memory_space<vmem>>, vector<1x16xi32>,
    %get3A_44 = vector.shape_cast %get3A_43 : vector<1x16xi32> to vector<16xi32>
    %add3A_45 = vector.broadcast %mul3A_2 : i32 to vector<16xi32>
    %add3A_46 = arith.addi %get3A_44, %add3A_45 : vector<16xi32>
    %swap3A_47 = arith.constant 0 : i32
    %swap3A_48 = arith.index_cast %swap3A_47 : i32 to index
    %swap3A_49 = arith.constant 48 : index
    %swap3A_50 = tpu.vector_load %arg8[%swap3A_48, %swap3A_49] {strides = array<i32>} : memref<1x112xi32, #tpu.memory_space<vmem>>, vector<1x16xi32>,
    %swap3A_51 = vector.shape_cast %swap3A_50 : vector<1x16xi32> to vector<16xi32>
    %swap3A_52 = vector.shape_cast %add3A_46 : vector<16xi32> to vector<1x16xi32>
    tpu.vector_store %arg8[%swap3A_48, %swap3A_49], %swap3A_52 {strides = array<i32>} : memref<1x112xi32, #tpu.memory_space<vmem>>, vector<1x16xi32>,
    %get3A_53 = arith.constant 0 : i32
    %get3A_54 = arith.index_cast %get3A_53 : i32 to index
    %get3A_55 = arith.constant 64 : index
    %get3A_56 = tpu.vector_load %arg8[%get3A_54, %get3A_55] {strides = array<i32>} : memref<1x112xi32, #tpu.memory_space<vmem>>, vector<1x16xi32>,
    %get3A_57 = vector.shape_cast %get3A_56 : vector<1x16xi32> to vector<16xi32>
    %add3A_58 = vector.broadcast %mul3A_2 : i32 to vector<16xi32>
    %add3A_59 = arith.addi %get3A_57, %add3A_58 : vector<16xi32>
    %swap3A_60 = arith.constant 0 : i32
    %swap3A_61 = arith.index_cast %swap3A_60 : i32 to index
    %swap3A_62 = arith.constant 64 : index
    %swap3A_63 = tpu.vector_load %arg8[%swap3A_61, %swap3A_62] {strides = array<i32>} : memref<1x112xi32, #tpu.memory_space<vmem>>, vector<1x16xi32>,
    %swap3A_64 = vector.shape_cast %swap3A_63 : vector<1x16xi32> to vector<16xi32>
    %swap3A_65 = vector.shape_cast %add3A_59 : vector<16xi32> to vector<1x16xi32>
    tpu.vector_store %arg8[%swap3A_61, %swap3A_62], %swap3A_65 {strides = array<i32>} : memref<1x112xi32, #tpu.memory_space<vmem>>, vector<1x16xi32>,
    %get3A_66 = arith.constant 0 : i32
    %get3A_67 = arith.index_cast %get3A_66 : i32 to index
    %get3A_68 = arith.constant 80 : index
    %get3A_69 = tpu.vector_load %arg8[%get3A_67, %get3A_68] {strides = array<i32>} : memref<1x112xi32, #tpu.memory_space<vmem>>, vector<1x16xi32>,
    %get3A_70 = vector.shape_cast %get3A_69 : vector<1x16xi32> to vector<16xi32>
    %add3A_71 = vector.broadcast %mul3A_2 : i32 to vector<16xi32>
    %add3A_72 = arith.addi %get3A_70, %add3A_71 : vector<16xi32>
    %swap3A_73 = arith.constant 0 : i32
    %swap3A_74 = arith.index_cast %swap3A_73 : i32 to index
    %swap3A_75 = arith.constant 80 : index
    %swap3A_76 = tpu.vector_load %arg8[%swap3A_74, %swap3A_75] {strides = array<i32>} : memref<1x112xi32, #tpu.memory_space<vmem>>, vector<1x16xi32>,
    %swap3A_77 = vector.shape_cast %swap3A_76 : vector<1x16xi32> to vector<16xi32>
    %swap3A_78 = vector.shape_cast %add3A_72 : vector<16xi32> to vector<1x16xi32>
    tpu.vector_store %arg8[%swap3A_74, %swap3A_75], %swap3A_78 {strides = array<i32>} : memref<1x112xi32, #tpu.memory_space<vmem>>, vector<1x16xi32>,
    %get3A_79 = arith.constant 0 : i32
    %get3A_80 = arith.index_cast %get3A_79 : i32 to index
    %get3A_81 = arith.constant 96 : index
    %get3A_82 = tpu.vector_load %arg8[%get3A_80, %get3A_81] {strides = array<i32>} : memref<1x112xi32, #tpu.memory_space<vmem>>, vector<1x16xi32>,
    %get3A_83 = vector.shape_cast %get3A_82 : vector<1x16xi32> to vector<16xi32>
    %add3A_84 = vector.broadcast %mul3A_2 : i32 to vector<16xi32>
    %add3A_85 = arith.addi %get3A_83, %add3A_84 : vector<16xi32>
    %swap3A_86 = arith.constant 0 : i32
    %swap3A_87 = arith.index_cast %swap3A_86 : i32 to index
    %swap3A_88 = arith.constant 96 : index
    %swap3A_89 = tpu.vector_load %arg8[%swap3A_87, %swap3A_88] {strides = array<i32>} : memref<1x112xi32, #tpu.memory_space<vmem>>, vector<1x16xi32>,
    %swap3A_90 = vector.shape_cast %swap3A_89 : vector<1x16xi32> to vector<16xi32>
    %swap3A_91 = vector.shape_cast %add3A_85 : vector<16xi32> to vector<1x16xi32>
    tpu.vector_store %arg8[%swap3A_87, %swap3A_88], %swap3A_91 {strides = array<i32>} : memref<1x112xi32, #tpu.memory_space<vmem>>, vector<1x16xi32>,
    %get3A_92 = arith.constant 0 : i32
    %get3A_93 = arith.index_cast %get3A_92 : i32 to index
    %get3A_94 = arith.constant 0 : index
    %get3A_95 = tpu.vector_load %arg10[%get3A_93, %get3A_94] {strides = array<i32>} : memref<4x96xi32, #tpu.memory_space<vmem>>, vector<1x16xi32>,
    %get3A_96 = vector.shape_cast %get3A_95 : vector<1x16xi32> to vector<16xi32>
    %add3A_97 = vector.broadcast %mul3A_2 : i32 to vector<16xi32>
    %add3A_98 = arith.addi %get3A_96, %add3A_97 : vector<16xi32>
    %swap3A_99 = arith.constant 0 : i32
    %swap3A_100 = arith.index_cast %swap3A_99 : i32 to index
    %swap3A_101 = arith.constant 0 : index
    %swap3A_102 = tpu.vector_load %arg10[%swap3A_100, %swap3A_101] {strides = array<i32>} : memref<4x96xi32, #tpu.memory_space<vmem>>, vector<1x16xi32>,
    %swap3A_103 = vector.shape_cast %swap3A_102 : vector<1x16xi32> to vector<16xi32>
    %swap3A_104 = vector.shape_cast %add3A_98 : vector<16xi32> to vector<1x16xi32>
    tpu.vector_store %arg10[%swap3A_100, %swap3A_101], %swap3A_104 {strides = array<i32>} : memref<4x96xi32, #tpu.memory_space<vmem>>, vector<1x16xi32>,
    %get3A_105 = arith.constant 0 : i32
    %get3A_106 = arith.index_cast %get3A_105 : i32 to index
    %get3A_107 = arith.constant 16 : index
    %get3A_108 = tpu.vector_load %arg10[%get3A_106, %get3A_107] {strides = array<i32>} : memref<4x96xi32, #tpu.memory_space<vmem>>, vector<1x16xi32>,
    %get3A_109 = vector.shape_cast %get3A_108 : vector<1x16xi32> to vector<16xi32>
    %add3A_110 = vector.broadcast %mul3A_2 : i32 to vector<16xi32>
    %add3A_111 = arith.addi %get3A_109, %add3A_110 : vector<16xi32>
    %swap3A_112 = arith.constant 0 : i32
    %swap3A_113 = arith.index_cast %swap3A_112 : i32 to index
    %swap3A_114 = arith.constant 16 : index
    %swap3A_115 = tpu.vector_load %arg10[%swap3A_113, %swap3A_114] {strides = array<i32>} : memref<4x96xi32, #tpu.memory_space<vmem>>, vector<1x16xi32>,
    %swap3A_116 = vector.shape_cast %swap3A_115 : vector<1x16xi32> to vector<16xi32>
    %swap3A_117 = vector.shape_cast %add3A_111 : vector<16xi32> to vector<1x16xi32>
    tpu.vector_store %arg10[%swap3A_113, %swap3A_114], %swap3A_117 {strides = array<i32>} : memref<4x96xi32, #tpu.memory_space<vmem>>, vector<1x16xi32>,
    %get3A_118 = arith.constant 0 : i32
    %get3A_119 = arith.index_cast %get3A_118 : i32 to index
    %get3A_120 = arith.constant 32 : index
    %get3A_121 = tpu.vector_load %arg10[%get3A_119, %get3A_120] {strides = array<i32>} : memref<4x96xi32, #tpu.memory_space<vmem>>, vector<1x16xi32>,
    %get3A_122 = vector.shape_cast %get3A_121 : vector<1x16xi32> to vector<16xi32>
    %add3A_123 = vector.broadcast %mul3A_2 : i32 to vector<16xi32>
    %add3A_124 = arith.addi %get3A_122, %add3A_123 : vector<16xi32>
    %swap3A_125 = arith.constant 0 : i32
    %swap3A_126 = arith.index_cast %swap3A_125 : i32 to index
    %swap3A_127 = arith.constant 32 : index
    %swap3A_128 = tpu.vector_load %arg10[%swap3A_126, %swap3A_127] {strides = array<i32>} : memref<4x96xi32, #tpu.memory_space<vmem>>, vector<1x16xi32>,
    %swap3A_129 = vector.shape_cast %swap3A_128 : vector<1x16xi32> to vector<16xi32>
    %swap3A_130 = vector.shape_cast %add3A_124 : vector<16xi32> to vector<1x16xi32>
    tpu.vector_store %arg10[%swap3A_126, %swap3A_127], %swap3A_130 {strides = array<i32>} : memref<4x96xi32, #tpu.memory_space<vmem>>, vector<1x16xi32>,
    %get3A_131 = arith.constant 0 : i32
    %get3A_132 = arith.index_cast %get3A_131 : i32 to index
    %get3A_133 = arith.constant 48 : index
    %get3A_134 = tpu.vector_load %arg10[%get3A_132, %get3A_133] {strides = array<i32>} : memref<4x96xi32, #tpu.memory_space<vmem>>, vector<1x16xi32>,
    %get3A_135 = vector.shape_cast %get3A_134 : vector<1x16xi32> to vector<16xi32>
    %add3A_136 = vector.broadcast %mul3A_2 : i32 to vector<16xi32>
    %add3A_137 = arith.addi %get3A_135, %add3A_136 : vector<16xi32>
    %swap3A_138 = arith.constant 0 : i32
    %swap3A_139 = arith.index_cast %swap3A_138 : i32 to index
    %swap3A_140 = arith.constant 48 : index
    %swap3A_141 = tpu.vector_load %arg10[%swap3A_139, %swap3A_140] {strides = array<i32>} : memref<4x96xi32, #tpu.memory_space<vmem>>, vector<1x16xi32>,
    %swap3A_142 = vector.shape_cast %swap3A_141 : vector<1x16xi32> to vector<16xi32>
    %swap3A_143 = vector.shape_cast %add3A_137 : vector<16xi32> to vector<1x16xi32>
    tpu.vector_store %arg10[%swap3A_139, %swap3A_140], %swap3A_143 {strides = array<i32>} : memref<4x96xi32, #tpu.memory_space<vmem>>, vector<1x16xi32>,
    %get3A_144 = arith.constant 0 : i32
    %get3A_145 = arith.index_cast %get3A_144 : i32 to index
    %get3A_146 = arith.constant 64 : index
    %get3A_147 = tpu.vector_load %arg10[%get3A_145, %get3A_146] {strides = array<i32>} : memref<4x96xi32, #tpu.memory_space<vmem>>, vector<1x16xi32>,
    %get3A_148 = vector.shape_cast %get3A_147 : vector<1x16xi32> to vector<16xi32>
    %add3A_149 = vector.broadcast %mul3A_2 : i32 to vector<16xi32>
    %add3A_150 = arith.addi %get3A_148, %add3A_149 : vector<16xi32>
    %swap3A_151 = arith.constant 0 : i32
    %swap3A_152 = arith.index_cast %swap3A_151 : i32 to index
    %swap3A_153 = arith.constant 64 : index
    %swap3A_154 = tpu.vector_load %arg10[%swap3A_152, %swap3A_153] {strides = array<i32>} : memref<4x96xi32, #tpu.memory_space<vmem>>, vector<1x16xi32>,
    %swap3A_155 = vector.shape_cast %swap3A_154 : vector<1x16xi32> to vector<16xi32>
    %swap3A_156 = vector.shape_cast %add3A_150 : vector<16xi32> to vector<1x16xi32>
    tpu.vector_store %arg10[%swap3A_152, %swap3A_153], %swap3A_156 {strides = array<i32>} : memref<4x96xi32, #tpu.memory_space<vmem>>, vector<1x16xi32>,
    %get3A_157 = arith.constant 0 : i32
    %get3A_158 = arith.index_cast %get3A_157 : i32 to index
    %get3A_159 = arith.constant 80 : index
    %get3A_160 = tpu.vector_load %arg10[%get3A_158, %get3A_159] {strides = array<i32>} : memref<4x96xi32, #tpu.memory_space<vmem>>, vector<1x16xi32>,
    %get3A_161 = vector.shape_cast %get3A_160 : vector<1x16xi32> to vector<16xi32>
    %add3A_162 = vector.broadcast %mul3A_2 : i32 to vector<16xi32>
    %add3A_163 = arith.addi %get3A_161, %add3A_162 : vector<16xi32>
    %swap3A_164 = arith.constant 0 : i32
    %swap3A_165 = arith.index_cast %swap3A_164 : i32 to index
    %swap3A_166 = arith.constant 80 : index
    %swap3A_167 = tpu.vector_load %arg10[%swap3A_165, %swap3A_166] {strides = array<i32>} : memref<4x96xi32, #tpu.memory_space<vmem>>, vector<1x16xi32>,
    %swap3A_168 = vector.shape_cast %swap3A_167 : vector<1x16xi32> to vector<16xi32>
    %swap3A_169 = vector.shape_cast %add3A_163 : vector<16xi32> to vector<1x16xi32>
    tpu.vector_store %arg10[%swap3A_165, %swap3A_166], %swap3A_169 {strides = array<i32>} : memref<4x96xi32, #tpu.memory_space<vmem>>, vector<1x16xi32>,
    %get3A_170 = arith.constant 1 : i32
    %get3A_171 = arith.index_cast %get3A_170 : i32 to index
    %get3A_172 = arith.constant 0 : index
    %get3A_173 = tpu.vector_load %arg10[%get3A_171, %get3A_172] {strides = array<i32>} : memref<4x96xi32, #tpu.memory_space<vmem>>, vector<1x16xi32>,
    %get3A_174 = vector.shape_cast %get3A_173 : vector<1x16xi32> to vector<16xi32>
    %add3A_175 = vector.broadcast %mul3A_2 : i32 to vector<16xi32>
    %add3A_176 = arith.addi %get3A_174, %add3A_175 : vector<16xi32>
    %swap3A_177 = arith.constant 1 : i32
    %swap3A_178 = arith.index_cast %swap3A_177 : i32 to index
    %swap3A_179 = arith.constant 0 : index
    %swap3A_180 = tpu.vector_load %arg10[%swap3A_178, %swap3A_179] {strides = array<i32>} : memref<4x96xi32, #tpu.memory_space<vmem>>, vector<1x16xi32>,
    %swap3A_181 = vector.shape_cast %swap3A_180 : vector<1x16xi32> to vector<16xi32>
    %swap3A_182 = vector.shape_cast %add3A_176 : vector<16xi32> to vector<1x16xi32>
    tpu.vector_store %arg10[%swap3A_178, %swap3A_179], %swap3A_182 {strides = array<i32>} : memref<4x96xi32, #tpu.memory_space<vmem>>, vector<1x16xi32>,
    %get3A_183 = arith.constant 1 : i32
    %get3A_184 = arith.index_cast %get3A_183 : i32 to index
    %get3A_185 = arith.constant 16 : index
    %get3A_186 = tpu.vector_load %arg10[%get3A_184, %get3A_185] {strides = array<i32>} : memref<4x96xi32, #tpu.memory_space<vmem>>, vector<1x16xi32>,
    %get3A_187 = vector.shape_cast %get3A_186 : vector<1x16xi32> to vector<16xi32>
    %add3A_188 = vector.broadcast %mul3A_2 : i32 to vector<16xi32>
    %add3A_189 = arith.addi %get3A_187, %add3A_188 : vector<16xi32>
    %swap3A_190 = arith.constant 1 : i32
    %swap3A_191 = arith.index_cast %swap3A_190 : i32 to index
    %swap3A_192 = arith.constant 16 : index
    %swap3A_193 = tpu.vector_load %arg10[%swap3A_191, %swap3A_192] {strides = array<i32>} : memref<4x96xi32, #tpu.memory_space<vmem>>, vector<1x16xi32>,
    %swap3A_194 = vector.shape_cast %swap3A_193 : vector<1x16xi32> to vector<16xi32>
    %swap3A_195 = vector.shape_cast %add3A_189 : vector<16xi32> to vector<1x16xi32>
    tpu.vector_store %arg10[%swap3A_191, %swap3A_192], %swap3A_195 {strides = array<i32>} : memref<4x96xi32, #tpu.memory_space<vmem>>, vector<1x16xi32>,
    %get3A_196 = arith.constant 1 : i32
    %get3A_197 = arith.index_cast %get3A_196 : i32 to index
    %get3A_198 = arith.constant 32 : index
    %get3A_199 = tpu.vector_load %arg10[%get3A_197, %get3A_198] {strides = array<i32>} : memref<4x96xi32, #tpu.memory_space<vmem>>, vector<1x16xi32>,
    %get3A_200 = vector.shape_cast %get3A_199 : vector<1x16xi32> to vector<16xi32>
    %add3A_201 = vector.broadcast %mul3A_2 : i32 to vector<16xi32>
    %add3A_202 = arith.addi %get3A_200, %add3A_201 : vector<16xi32>
    %swap3A_203 = arith.constant 1 : i32
    %swap3A_204 = arith.index_cast %swap3A_203 : i32 to index
    %swap3A_205 = arith.constant 32 : index
    %swap3A_206 = tpu.vector_load %arg10[%swap3A_204, %swap3A_205] {strides = array<i32>} : memref<4x96xi32, #tpu.memory_space<vmem>>, vector<1x16xi32>,
    %swap3A_207 = vector.shape_cast %swap3A_206 : vector<1x16xi32> to vector<16xi32>
    %swap3A_208 = vector.shape_cast %add3A_202 : vector<16xi32> to vector<1x16xi32>
    tpu.vector_store %arg10[%swap3A_204, %swap3A_205], %swap3A_208 {strides = array<i32>} : memref<4x96xi32, #tpu.memory_space<vmem>>, vector<1x16xi32>,
    %get3A_209 = arith.constant 1 : i32
    %get3A_210 = arith.index_cast %get3A_209 : i32 to index
    %get3A_211 = arith.constant 48 : index
    %get3A_212 = tpu.vector_load %arg10[%get3A_210, %get3A_211] {strides = array<i32>} : memref<4x96xi32, #tpu.memory_space<vmem>>, vector<1x16xi32>,
    %get3A_213 = vector.shape_cast %get3A_212 : vector<1x16xi32> to vector<16xi32>
    %add3A_214 = vector.broadcast %mul3A_2 : i32 to vector<16xi32>
    %add3A_215 = arith.addi %get3A_213, %add3A_214 : vector<16xi32>
    %swap3A_216 = arith.constant 1 : i32
    %swap3A_217 = arith.index_cast %swap3A_216 : i32 to index
    %swap3A_218 = arith.constant 48 : index
    %swap3A_219 = tpu.vector_load %arg10[%swap3A_217, %swap3A_218] {strides = array<i32>} : memref<4x96xi32, #tpu.memory_space<vmem>>, vector<1x16xi32>,
    %swap3A_220 = vector.shape_cast %swap3A_219 : vector<1x16xi32> to vector<16xi32>
    %swap3A_221 = vector.shape_cast %add3A_215 : vector<16xi32> to vector<1x16xi32>
    tpu.vector_store %arg10[%swap3A_217, %swap3A_218], %swap3A_221 {strides = array<i32>} : memref<4x96xi32, #tpu.memory_space<vmem>>, vector<1x16xi32>,
    %get3A_222 = arith.constant 1 : i32
    %get3A_223 = arith.index_cast %get3A_222 : i32 to index
    %get3A_224 = arith.constant 64 : index
    %get3A_225 = tpu.vector_load %arg10[%get3A_223, %get3A_224] {strides = array<i32>} : memref<4x96xi32, #tpu.memory_space<vmem>>, vector<1x16xi32>,
    %get3A_226 = vector.shape_cast %get3A_225 : vector<1x16xi32> to vector<16xi32>
    %add3A_227 = vector.broadcast %mul3A_2 : i32 to vector<16xi32>
    %add3A_228 = arith.addi %get3A_226, %add3A_227 : vector<16xi32>
    %swap3A_229 = arith.constant 1 : i32
    %swap3A_230 = arith.index_cast %swap3A_229 : i32 to index
    %swap3A_231 = arith.constant 64 : index
    %swap3A_232 = tpu.vector_load %arg10[%swap3A_230, %swap3A_231] {strides = array<i32>} : memref<4x96xi32, #tpu.memory_space<vmem>>, vector<1x16xi32>,
    %swap3A_233 = vector.shape_cast %swap3A_232 : vector<1x16xi32> to vector<16xi32>
    %swap3A_234 = vector.shape_cast %add3A_228 : vector<16xi32> to vector<1x16xi32>
    tpu.vector_store %arg10[%swap3A_230, %swap3A_231], %swap3A_234 {strides = array<i32>} : memref<4x96xi32, #tpu.memory_space<vmem>>, vector<1x16xi32>,
    %get3A_235 = arith.constant 1 : i32
    %get3A_236 = arith.index_cast %get3A_235 : i32 to index
    %get3A_237 = arith.constant 80 : index
    %get3A_238 = tpu.vector_load %arg10[%get3A_236, %get3A_237] {strides = array<i32>} : memref<4x96xi32, #tpu.memory_space<vmem>>, vector<1x16xi32>,
    %get3A_239 = vector.shape_cast %get3A_238 : vector<1x16xi32> to vector<16xi32>
    %add3A_240 = vector.broadcast %mul3A_2 : i32 to vector<16xi32>
    %add3A_241 = arith.addi %get3A_239, %add3A_240 : vector<16xi32>
    %swap3A_242 = arith.constant 1 : i32
    %swap3A_243 = arith.index_cast %swap3A_242 : i32 to index
    %swap3A_244 = arith.constant 80 : index
    %swap3A_245 = tpu.vector_load %arg10[%swap3A_243, %swap3A_244] {strides = array<i32>} : memref<4x96xi32, #tpu.memory_space<vmem>>, vector<1x16xi32>,
    %swap3A_246 = vector.shape_cast %swap3A_245 : vector<1x16xi32> to vector<16xi32>
    %swap3A_247 = vector.shape_cast %add3A_241 : vector<16xi32> to vector<1x16xi32>
    tpu.vector_store %arg10[%swap3A_243, %swap3A_244], %swap3A_247 {strides = array<i32>} : memref<4x96xi32, #tpu.memory_space<vmem>>, vector<1x16xi32>,
    %get3A_248 = arith.constant 2 : i32
    %get3A_249 = arith.index_cast %get3A_248 : i32 to index
    %get3A_250 = arith.constant 0 : index
    %get3A_251 = tpu.vector_load %arg10[%get3A_249, %get3A_250] {strides = array<i32>} : memref<4x96xi32, #tpu.memory_space<vmem>>, vector<1x16xi32>,
    %get3A_252 = vector.shape_cast %get3A_251 : vector<1x16xi32> to vector<16xi32>
    %add3A_253 = vector.broadcast %mul3A_2 : i32 to vector<16xi32>
    %add3A_254 = arith.addi %get3A_252, %add3A_253 : vector<16xi32>
    %swap3A_255 = arith.constant 2 : i32
    %swap3A_256 = arith.index_cast %swap3A_255 : i32 to index
    %swap3A_257 = arith.constant 0 : index
    %swap3A_258 = tpu.vector_load %arg10[%swap3A_256, %swap3A_257] {strides = array<i32>} : memref<4x96xi32, #tpu.memory_space<vmem>>, vector<1x16xi32>,
    %swap3A_259 = vector.shape_cast %swap3A_258 : vector<1x16xi32> to vector<16xi32>
    %swap3A_260 = vector.shape_cast %add3A_254 : vector<16xi32> to vector<1x16xi32>
    tpu.vector_store %arg10[%swap3A_256, %swap3A_257], %swap3A_260 {strides = array<i32>} : memref<4x96xi32, #tpu.memory_space<vmem>>, vector<1x16xi32>,
    %get3A_261 = arith.constant 2 : i32
    %get3A_262 = arith.index_cast %get3A_261 : i32 to index
    %get3A_263 = arith.constant 16 : index
    %get3A_264 = tpu.vector_load %arg10[%get3A_262, %get3A_263] {strides = array<i32>} : memref<4x96xi32, #tpu.memory_space<vmem>>, vector<1x16xi32>,
    %get3A_265 = vector.shape_cast %get3A_264 : vector<1x16xi32> to vector<16xi32>
    %add3A_266 = vector.broadcast %mul3A_2 : i32 to vector<16xi32>
    %add3A_267 = arith.addi %get3A_265, %add3A_266 : vector<16xi32>
    %swap3A_268 = arith.constant 2 : i32
    %swap3A_269 = arith.index_cast %swap3A_268 : i32 to index
    %swap3A_270 = arith.constant 16 : index
    %swap3A_271 = tpu.vector_load %arg10[%swap3A_269, %swap3A_270] {strides = array<i32>} : memref<4x96xi32, #tpu.memory_space<vmem>>, vector<1x16xi32>,
    %swap3A_272 = vector.shape_cast %swap3A_271 : vector<1x16xi32> to vector<16xi32>
    %swap3A_273 = vector.shape_cast %add3A_267 : vector<16xi32> to vector<1x16xi32>
    tpu.vector_store %arg10[%swap3A_269, %swap3A_270], %swap3A_273 {strides = array<i32>} : memref<4x96xi32, #tpu.memory_space<vmem>>, vector<1x16xi32>,
    %get3A_274 = arith.constant 2 : i32
    %get3A_275 = arith.index_cast %get3A_274 : i32 to index
    %get3A_276 = arith.constant 32 : index
    %get3A_277 = tpu.vector_load %arg10[%get3A_275, %get3A_276] {strides = array<i32>} : memref<4x96xi32, #tpu.memory_space<vmem>>, vector<1x16xi32>,
    %get3A_278 = vector.shape_cast %get3A_277 : vector<1x16xi32> to vector<16xi32>
    %add3A_279 = vector.broadcast %mul3A_2 : i32 to vector<16xi32>
    %add3A_280 = arith.addi %get3A_278, %add3A_279 : vector<16xi32>
    %swap3A_281 = arith.constant 2 : i32
    %swap3A_282 = arith.index_cast %swap3A_281 : i32 to index
    %swap3A_283 = arith.constant 32 : index
    %swap3A_284 = tpu.vector_load %arg10[%swap3A_282, %swap3A_283] {strides = array<i32>} : memref<4x96xi32, #tpu.memory_space<vmem>>, vector<1x16xi32>,
    %swap3A_285 = vector.shape_cast %swap3A_284 : vector<1x16xi32> to vector<16xi32>
    %swap3A_286 = vector.shape_cast %add3A_280 : vector<16xi32> to vector<1x16xi32>
    tpu.vector_store %arg10[%swap3A_282, %swap3A_283], %swap3A_286 {strides = array<i32>} : memref<4x96xi32, #tpu.memory_space<vmem>>, vector<1x16xi32>,
    %get3A_287 = arith.constant 2 : i32
    %get3A_288 = arith.index_cast %get3A_287 : i32 to index
    %get3A_289 = arith.constant 48 : index
    %get3A_290 = tpu.vector_load %arg10[%get3A_288, %get3A_289] {strides = array<i32>} : memref<4x96xi32, #tpu.memory_space<vmem>>, vector<1x16xi32>,
    %get3A_291 = vector.shape_cast %get3A_290 : vector<1x16xi32> to vector<16xi32>
    %add3A_292 = vector.broadcast %mul3A_2 : i32 to vector<16xi32>
    %add3A_293 = arith.addi %get3A_291, %add3A_292 : vector<16xi32>
    %swap3A_294 = arith.constant 2 : i32
    %swap3A_295 = arith.index_cast %swap3A_294 : i32 to index
    %swap3A_296 = arith.constant 48 : index
    %swap3A_297 = tpu.vector_load %arg10[%swap3A_295, %swap3A_296] {strides = array<i32>} : memref<4x96xi32, #tpu.memory_space<vmem>>, vector<1x16xi32>,
    %swap3A_298 = vector.shape_cast %swap3A_297 : vector<1x16xi32> to vector<16xi32>
    %swap3A_299 = vector.shape_cast %add3A_293 : vector<16xi32> to vector<1x16xi32>
    tpu.vector_store %arg10[%swap3A_295, %swap3A_296], %swap3A_299 {strides = array<i32>} : memref<4x96xi32, #tpu.memory_space<vmem>>, vector<1x16xi32>,
    %get3A_300 = arith.constant 2 : i32
    %get3A_301 = arith.index_cast %get3A_300 : i32 to index
    %get3A_302 = arith.constant 64 : index
    %get3A_303 = tpu.vector_load %arg10[%get3A_301, %get3A_302] {strides = array<i32>} : memref<4x96xi32, #tpu.memory_space<vmem>>, vector<1x16xi32>,
    %get3A_304 = vector.shape_cast %get3A_303 : vector<1x16xi32> to vector<16xi32>
    %add3A_305 = vector.broadcast %mul3A_2 : i32 to vector<16xi32>
    %add3A_306 = arith.addi %get3A_304, %add3A_305 : vector<16xi32>
    %swap3A_307 = arith.constant 2 : i32
    %swap3A_308 = arith.index_cast %swap3A_307 : i32 to index
    %swap3A_309 = arith.constant 64 : index
    %swap3A_310 = tpu.vector_load %arg10[%swap3A_308, %swap3A_309] {strides = array<i32>} : memref<4x96xi32, #tpu.memory_space<vmem>>, vector<1x16xi32>,
    %swap3A_311 = vector.shape_cast %swap3A_310 : vector<1x16xi32> to vector<16xi32>
    %swap3A_312 = vector.shape_cast %add3A_306 : vector<16xi32> to vector<1x16xi32>
    tpu.vector_store %arg10[%swap3A_308, %swap3A_309], %swap3A_312 {strides = array<i32>} : memref<4x96xi32, #tpu.memory_space<vmem>>, vector<1x16xi32>,
    %get3A_313 = arith.constant 2 : i32
    %get3A_314 = arith.index_cast %get3A_313 : i32 to index
    %get3A_315 = arith.constant 80 : index
    %get3A_316 = tpu.vector_load %arg10[%get3A_314, %get3A_315] {strides = array<i32>} : memref<4x96xi32, #tpu.memory_space<vmem>>, vector<1x16xi32>,
    %get3A_317 = vector.shape_cast %get3A_316 : vector<1x16xi32> to vector<16xi32>
    %add3A_318 = vector.broadcast %mul3A_2 : i32 to vector<16xi32>
    %add3A_319 = arith.addi %get3A_317, %add3A_318 : vector<16xi32>
    %swap3A_320 = arith.constant 2 : i32
    %swap3A_321 = arith.index_cast %swap3A_320 : i32 to index
    %swap3A_322 = arith.constant 80 : index
    %swap3A_323 = tpu.vector_load %arg10[%swap3A_321, %swap3A_322] {strides = array<i32>} : memref<4x96xi32, #tpu.memory_space<vmem>>, vector<1x16xi32>,
    %swap3A_324 = vector.shape_cast %swap3A_323 : vector<1x16xi32> to vector<16xi32>
    %swap3A_325 = vector.shape_cast %add3A_319 : vector<16xi32> to vector<1x16xi32>
    tpu.vector_store %arg10[%swap3A_321, %swap3A_322], %swap3A_325 {strides = array<i32>} : memref<4x96xi32, #tpu.memory_space<vmem>>, vector<1x16xi32>,
    %get3A_326 = arith.constant 3 : i32
    %get3A_327 = arith.index_cast %get3A_326 : i32 to index
    %get3A_328 = arith.constant 0 : index
    %get3A_329 = tpu.vector_load %arg10[%get3A_327, %get3A_328] {strides = array<i32>} : memref<4x96xi32, #tpu.memory_space<vmem>>, vector<1x16xi32>,
    %get3A_330 = vector.shape_cast %get3A_329 : vector<1x16xi32> to vector<16xi32>
    %add3A_331 = vector.broadcast %mul3A_2 : i32 to vector<16xi32>
    %add3A_332 = arith.addi %get3A_330, %add3A_331 : vector<16xi32>
    %swap3A_333 = arith.constant 3 : i32
    %swap3A_334 = arith.index_cast %swap3A_333 : i32 to index
    %swap3A_335 = arith.constant 0 : index
    %swap3A_336 = tpu.vector_load %arg10[%swap3A_334, %swap3A_335] {strides = array<i32>} : memref<4x96xi32, #tpu.memory_space<vmem>>, vector<1x16xi32>,
    %swap3A_337 = vector.shape_cast %swap3A_336 : vector<1x16xi32> to vector<16xi32>
    %swap3A_338 = vector.shape_cast %add3A_332 : vector<16xi32> to vector<1x16xi32>
    tpu.vector_store %arg10[%swap3A_334, %swap3A_335], %swap3A_338 {strides = array<i32>} : memref<4x96xi32, #tpu.memory_space<vmem>>, vector<1x16xi32>,
    %get3A_339 = arith.constant 3 : i32
    %get3A_340 = arith.index_cast %get3A_339 : i32 to index
    %get3A_341 = arith.constant 16 : index
    %get3A_342 = tpu.vector_load %arg10[%get3A_340, %get3A_341] {strides = array<i32>} : memref<4x96xi32, #tpu.memory_space<vmem>>, vector<1x16xi32>,
    %get3A_343 = vector.shape_cast %get3A_342 : vector<1x16xi32> to vector<16xi32>
    %add3A_344 = vector.broadcast %mul3A_2 : i32 to vector<16xi32>
    %add3A_345 = arith.addi %get3A_343, %add3A_344 : vector<16xi32>
    %swap3A_346 = arith.constant 3 : i32
    %swap3A_347 = arith.index_cast %swap3A_346 : i32 to index
    %swap3A_348 = arith.constant 16 : index
    %swap3A_349 = tpu.vector_load %arg10[%swap3A_347, %swap3A_348] {strides = array<i32>} : memref<4x96xi32, #tpu.memory_space<vmem>>, vector<1x16xi32>,
    %swap3A_350 = vector.shape_cast %swap3A_349 : vector<1x16xi32> to vector<16xi32>
    %swap3A_351 = vector.shape_cast %add3A_345 : vector<16xi32> to vector<1x16xi32>
    tpu.vector_store %arg10[%swap3A_347, %swap3A_348], %swap3A_351 {strides = array<i32>} : memref<4x96xi32, #tpu.memory_space<vmem>>, vector<1x16xi32>,
    %get3A_352 = arith.constant 3 : i32
    %get3A_353 = arith.index_cast %get3A_352 : i32 to index
    %get3A_354 = arith.constant 32 : index
    %get3A_355 = tpu.vector_load %arg10[%get3A_353, %get3A_354] {strides = array<i32>} : memref<4x96xi32, #tpu.memory_space<vmem>>, vector<1x16xi32>,
    %get3A_356 = vector.shape_cast %get3A_355 : vector<1x16xi32> to vector<16xi32>
    %add3A_357 = vector.broadcast %mul3A_2 : i32 to vector<16xi32>
    %add3A_358 = arith.addi %get3A_356, %add3A_357 : vector<16xi32>
    %swap3A_359 = arith.constant 3 : i32
    %swap3A_360 = arith.index_cast %swap3A_359 : i32 to index
    %swap3A_361 = arith.constant 32 : index
    %swap3A_362 = tpu.vector_load %arg10[%swap3A_360, %swap3A_361] {strides = array<i32>} : memref<4x96xi32, #tpu.memory_space<vmem>>, vector<1x16xi32>,
    %swap3A_363 = vector.shape_cast %swap3A_362 : vector<1x16xi32> to vector<16xi32>
    %swap3A_364 = vector.shape_cast %add3A_358 : vector<16xi32> to vector<1x16xi32>
    tpu.vector_store %arg10[%swap3A_360, %swap3A_361], %swap3A_364 {strides = array<i32>} : memref<4x96xi32, #tpu.memory_space<vmem>>, vector<1x16xi32>,
    %get3A_365 = arith.constant 3 : i32
    %get3A_366 = arith.index_cast %get3A_365 : i32 to index
    %get3A_367 = arith.constant 48 : index
    %get3A_368 = tpu.vector_load %arg10[%get3A_366, %get3A_367] {strides = array<i32>} : memref<4x96xi32, #tpu.memory_space<vmem>>, vector<1x16xi32>,
    %get3A_369 = vector.shape_cast %get3A_368 : vector<1x16xi32> to vector<16xi32>
    %add3A_370 = vector.broadcast %mul3A_2 : i32 to vector<16xi32>
    %add3A_371 = arith.addi %get3A_369, %add3A_370 : vector<16xi32>
    %swap3A_372 = arith.constant 3 : i32
    %swap3A_373 = arith.index_cast %swap3A_372 : i32 to index
    %swap3A_374 = arith.constant 48 : index
    %swap3A_375 = tpu.vector_load %arg10[%swap3A_373, %swap3A_374] {strides = array<i32>} : memref<4x96xi32, #tpu.memory_space<vmem>>, vector<1x16xi32>,
    %swap3A_376 = vector.shape_cast %swap3A_375 : vector<1x16xi32> to vector<16xi32>
    %swap3A_377 = vector.shape_cast %add3A_371 : vector<16xi32> to vector<1x16xi32>
    tpu.vector_store %arg10[%swap3A_373, %swap3A_374], %swap3A_377 {strides = array<i32>} : memref<4x96xi32, #tpu.memory_space<vmem>>, vector<1x16xi32>,
    %get3A_378 = arith.constant 3 : i32
    %get3A_379 = arith.index_cast %get3A_378 : i32 to index
    %get3A_380 = arith.constant 64 : index
    %get3A_381 = tpu.vector_load %arg10[%get3A_379, %get3A_380] {strides = array<i32>} : memref<4x96xi32, #tpu.memory_space<vmem>>, vector<1x16xi32>,
    %get3A_382 = vector.shape_cast %get3A_381 : vector<1x16xi32> to vector<16xi32>
    %add3A_383 = vector.broadcast %mul3A_2 : i32 to vector<16xi32>
    %add3A_384 = arith.addi %get3A_382, %add3A_383 : vector<16xi32>
    %swap3A_385 = arith.constant 3 : i32
    %swap3A_386 = arith.index_cast %swap3A_385 : i32 to index
    %swap3A_387 = arith.constant 64 : index
    %swap3A_388 = tpu.vector_load %arg10[%swap3A_386, %swap3A_387] {strides = array<i32>} : memref<4x96xi32, #tpu.memory_space<vmem>>, vector<1x16xi32>,
    %swap3A_389 = vector.shape_cast %swap3A_388 : vector<1x16xi32> to vector<16xi32>
    %swap3A_390 = vector.shape_cast %add3A_384 : vector<16xi32> to vector<1x16xi32>
    tpu.vector_store %arg10[%swap3A_386, %swap3A_387], %swap3A_390 {strides = array<i32>} : memref<4x96xi32, #tpu.memory_space<vmem>>, vector<1x16xi32>,
    %get3A_391 = arith.constant 3 : i32
    %get3A_392 = arith.index_cast %get3A_391 : i32 to index
    %get3A_393 = arith.constant 80 : index
    %get3A_394 = tpu.vector_load %arg10[%get3A_392, %get3A_393] {strides = array<i32>} : memref<4x96xi32, #tpu.memory_space<vmem>>, vector<1x16xi32>,
    %get3A_395 = vector.shape_cast %get3A_394 : vector<1x16xi32> to vector<16xi32>
    %add3A_396 = vector.broadcast %mul3A_2 : i32 to vector<16xi32>
    %add3A_397 = arith.addi %get3A_395, %add3A_396 : vector<16xi32>
    %swap3A_398 = arith.constant 3 : i32
    %swap3A_399 = arith.index_cast %swap3A_398 : i32 to index
    %swap3A_400 = arith.constant 80 : index
    %swap3A_401 = tpu.vector_load %arg10[%swap3A_399, %swap3A_400] {strides = array<i32>} : memref<4x96xi32, #tpu.memory_space<vmem>>, vector<1x16xi32>,
    %swap3A_402 = vector.shape_cast %swap3A_401 : vector<1x16xi32> to vector<16xi32>
    %swap3A_403 = vector.shape_cast %add3A_397 : vector<16xi32> to vector<1x16xi32>
    tpu.vector_store %arg10[%swap3A_399, %swap3A_400], %swap3A_403 {strides = array<i32>} : memref<4x96xi32, #tpu.memory_space<vmem>>, vector<1x16xi32>,
    "tpu.region"() ({
      %run_scoped3A_413 = tpu.sem_alloc : memref<!tpu.dma_semaphore, #tpu.memory_space<semaphore_mem>>
      %dma_start3A = tpu.memref_slice %arg14[%mul3A_2] : memref<16384xf32, #tpu.memory_space<vmem_shared>> -> memref<1024xf32, #tpu.memory_space<vmem_shared>>
      tpu.enqueue_dma source(%arg6 : memref<1024xf32, #tpu.memory_space<hbm>>) target(%dma_start3A : memref<1024xf32, #tpu.memory_space<vmem_shared>>) target_semaphore(%run_scoped3A_413 : memref<!tpu.dma_semaphore, #tpu.memory_space<semaphore_mem>>)
      %dma_wait3A = tpu.memref_slice %arg14[%mul3A_2] : memref<16384xf32, #tpu.memory_space<vmem_shared>> -> memref<1024xf32, #tpu.memory_space<vmem_shared>>
      tpu.wait_dma2 semaphore(%run_scoped3A_413 : memref<!tpu.dma_semaphore, #tpu.memory_space<semaphore_mem>>) src(%arg6 : memref<1024xf32, #tpu.memory_space<hbm>>) dst(%dma_wait3A : memref<1024xf32, #tpu.memory_space<vmem_shared>>)
      tpu.yield
    }) : () -> ()
    %run_scoped3A = arith.constant 0 : i32
    %run_scoped3A_404 = arith.constant 0 : i32
    "tpu.region"() ({
      %run_scoped3A_413 = tpu.sem_alloc : memref<!tpu.dma_semaphore, #tpu.memory_space<semaphore_mem>>
      %dma_start3A = arith.constant 0 : i32
      %dma_start3A_414 = tpu.memref_slice %arg9[%run_scoped3A, %dma_start3A] : memref<1x112xf32, #tpu.memory_space<vmem>> -> memref<1x112xf32, #tpu.memory_space<vmem>>
      %dma_start3A_415 = tpu.memref_squeeze %dma_start3A_414 : memref<1x112xf32, #tpu.memory_space<vmem>> -> memref<112xf32, #tpu.memory_space<vmem>>
      %dma_start3A_416 = arith.constant 0 : i32
      %dma_start3A_417 = tpu.memref_slice %arg8[%run_scoped3A_404, %dma_start3A_416] : memref<1x112xi32, #tpu.memory_space<vmem>> -> memref<1x112xi32, #tpu.memory_space<vmem>>
      %dma_start3A_418 = tpu.memref_squeeze %dma_start3A_417 : memref<1x112xi32, #tpu.memory_space<vmem>> -> memref<112xi32, #tpu.memory_space<vmem>>
      %dma_start3A_419 = arith.constant 0 : i32
      %dma_start3A_420 = tpu.memref_slice %arg14[%dma_start3A_419] : memref<16384xf32, #tpu.memory_space<vmem_shared>> -> memref<16384xf32, #tpu.memory_space<vmem_shared>>
      tpu.enqueue_indirect_dma source(%dma_start3A_415 : memref<112xf32, #tpu.memory_space<vmem>>) target(%dma_start3A_420 : memref<16384xf32, #tpu.memory_space<vmem_shared>>) offsets(%dma_start3A_418 : memref<112xi32, #tpu.memory_space<vmem>>) semaphore(%run_scoped3A_413 : memref<!tpu.dma_semaphore, #tpu.memory_space<semaphore_mem>>) {add = true}
      %dma_wait3A = arith.constant 0 : i32
      %dma_wait3A_421 = tpu.memref_slice %arg9[%run_scoped3A, %dma_wait3A] : memref<1x112xf32, #tpu.memory_space<vmem>> -> memref<1x112xf32, #tpu.memory_space<vmem>>
      %dma_wait3A_422 = tpu.memref_squeeze %dma_wait3A_421 : memref<1x112xf32, #tpu.memory_space<vmem>> -> memref<112xf32, #tpu.memory_space<vmem>>
      %dma_wait3A_423 = arith.constant 0 : i32
      %dma_wait3A_424 = tpu.memref_slice %arg8[%run_scoped3A_404, %dma_wait3A_423] : memref<1x112xi32, #tpu.memory_space<vmem>> -> memref<1x112xi32, #tpu.memory_space<vmem>>
      %dma_wait3A_425 = tpu.memref_squeeze %dma_wait3A_424 : memref<1x112xi32, #tpu.memory_space<vmem>> -> memref<112xi32, #tpu.memory_space<vmem>>
      %dma_wait3A_426 = arith.constant 0 : i32
      %dma_wait3A_427 = tpu.memref_slice %arg14[%dma_wait3A_426] : memref<16384xf32, #tpu.memory_space<vmem_shared>> -> memref<16384xf32, #tpu.memory_space<vmem_shared>>
      tpu.wait_indirect_dma semaphore(%run_scoped3A_413 : memref<!tpu.dma_semaphore, #tpu.memory_space<semaphore_mem>>) src(%dma_wait3A_422 : memref<112xf32, #tpu.memory_space<vmem>>) dst(%dma_wait3A_427 : memref<16384xf32, #tpu.memory_space<vmem_shared>>)
      tpu.yield
    }) : () -> ()
    %run_scoped3A_405 = arith.constant 0 : i32
    %run_scoped3A_406 = arith.constant 0 : i32
    "tpu.region"() ({
      %run_scoped3A_413 = tpu.sem_alloc : memref<!tpu.dma_semaphore, #tpu.memory_space<semaphore_mem>>
      %dma_start3A = arith.constant 0 : i32
      %dma_start3A_414 = tpu.memref_slice %arg11[%run_scoped3A_405, %dma_start3A] : memref<4x96xf32, #tpu.memory_space<vmem>> -> memref<1x96xf32, #tpu.memory_space<vmem>>
      %dma_start3A_415 = tpu.memref_squeeze %dma_start3A_414 : memref<1x96xf32, #tpu.memory_space<vmem>> -> memref<96xf32, #tpu.memory_space<vmem>>
      %dma_start3A_416 = arith.constant 0 : i32
      %dma_start3A_417 = tpu.memref_slice %arg10[%run_scoped3A_406, %dma_start3A_416] : memref<4x96xi32, #tpu.memory_space<vmem>> -> memref<1x96xi32, #tpu.memory_space<vmem>>
      %dma_start3A_418 = tpu.memref_squeeze %dma_start3A_417 : memref<1x96xi32, #tpu.memory_space<vmem>> -> memref<96xi32, #tpu.memory_space<vmem>>
      %dma_start3A_419 = arith.constant 0 : i32
      %dma_start3A_420 = tpu.memref_slice %arg14[%dma_start3A_419] : memref<16384xf32, #tpu.memory_space<vmem_shared>> -> memref<16384xf32, #tpu.memory_space<vmem_shared>>
      tpu.enqueue_indirect_dma source(%dma_start3A_415 : memref<96xf32, #tpu.memory_space<vmem>>) target(%dma_start3A_420 : memref<16384xf32, #tpu.memory_space<vmem_shared>>) offsets(%dma_start3A_418 : memref<96xi32, #tpu.memory_space<vmem>>) semaphore(%run_scoped3A_413 : memref<!tpu.dma_semaphore, #tpu.memory_space<semaphore_mem>>) {add = true}
      %dma_wait3A = arith.constant 0 : i32
      %dma_wait3A_421 = tpu.memref_slice %arg11[%run_scoped3A_405, %dma_wait3A] : memref<4x96xf32, #tpu.memory_space<vmem>> -> memref<1x96xf32, #tpu.memory_space<vmem>>
      %dma_wait3A_422 = tpu.memref_squeeze %dma_wait3A_421 : memref<1x96xf32, #tpu.memory_space<vmem>> -> memref<96xf32, #tpu.memory_space<vmem>>
      %dma_wait3A_423 = arith.constant 0 : i32
      %dma_wait3A_424 = tpu.memref_slice %arg10[%run_scoped3A_406, %dma_wait3A_423] : memref<4x96xi32, #tpu.memory_space<vmem>> -> memref<1x96xi32, #tpu.memory_space<vmem>>
      %dma_wait3A_425 = tpu.memref_squeeze %dma_wait3A_424 : memref<1x96xi32, #tpu.memory_space<vmem>> -> memref<96xi32, #tpu.memory_space<vmem>>
      %dma_wait3A_426 = arith.constant 0 : i32
      %dma_wait3A_427 = tpu.memref_slice %arg14[%dma_wait3A_426] : memref<16384xf32, #tpu.memory_space<vmem_shared>> -> memref<16384xf32, #tpu.memory_space<vmem_shared>>
      tpu.wait_indirect_dma semaphore(%run_scoped3A_413 : memref<!tpu.dma_semaphore, #tpu.memory_space<semaphore_mem>>) src(%dma_wait3A_422 : memref<96xf32, #tpu.memory_space<vmem>>) dst(%dma_wait3A_427 : memref<16384xf32, #tpu.memory_space<vmem_shared>>)
      tpu.yield
    }) : () -> ()
    %run_scoped3A_407 = arith.constant 1 : i32
    %run_scoped3A_408 = arith.constant 1 : i32
    "tpu.region"() ({
      %run_scoped3A_413 = tpu.sem_alloc : memref<!tpu.dma_semaphore, #tpu.memory_space<semaphore_mem>>
      %dma_start3A = arith.constant 0 : i32
      %dma_start3A_414 = tpu.memref_slice %arg11[%run_scoped3A_407, %dma_start3A] : memref<4x96xf32, #tpu.memory_space<vmem>> -> memref<1x96xf32, #tpu.memory_space<vmem>>
      %dma_start3A_415 = tpu.memref_squeeze %dma_start3A_414 : memref<1x96xf32, #tpu.memory_space<vmem>> -> memref<96xf32, #tpu.memory_space<vmem>>
      %dma_start3A_416 = arith.constant 0 : i32
      %dma_start3A_417 = tpu.memref_slice %arg10[%run_scoped3A_408, %dma_start3A_416] : memref<4x96xi32, #tpu.memory_space<vmem>> -> memref<1x96xi32, #tpu.memory_space<vmem>>
      %dma_start3A_418 = tpu.memref_squeeze %dma_start3A_417 : memref<1x96xi32, #tpu.memory_space<vmem>> -> memref<96xi32, #tpu.memory_space<vmem>>
      %dma_start3A_419 = arith.constant 0 : i32
      %dma_start3A_420 = tpu.memref_slice %arg14[%dma_start3A_419] : memref<16384xf32, #tpu.memory_space<vmem_shared>> -> memref<16384xf32, #tpu.memory_space<vmem_shared>>
      tpu.enqueue_indirect_dma source(%dma_start3A_415 : memref<96xf32, #tpu.memory_space<vmem>>) target(%dma_start3A_420 : memref<16384xf32, #tpu.memory_space<vmem_shared>>) offsets(%dma_start3A_418 : memref<96xi32, #tpu.memory_space<vmem>>) semaphore(%run_scoped3A_413 : memref<!tpu.dma_semaphore, #tpu.memory_space<semaphore_mem>>) {add = true}
      %dma_wait3A = arith.constant 0 : i32
      %dma_wait3A_421 = tpu.memref_slice %arg11[%run_scoped3A_407, %dma_wait3A] : memref<4x96xf32, #tpu.memory_space<vmem>> -> memref<1x96xf32, #tpu.memory_space<vmem>>
      %dma_wait3A_422 = tpu.memref_squeeze %dma_wait3A_421 : memref<1x96xf32, #tpu.memory_space<vmem>> -> memref<96xf32, #tpu.memory_space<vmem>>
      %dma_wait3A_423 = arith.constant 0 : i32
      %dma_wait3A_424 = tpu.memref_slice %arg10[%run_scoped3A_408, %dma_wait3A_423] : memref<4x96xi32, #tpu.memory_space<vmem>> -> memref<1x96xi32, #tpu.memory_space<vmem>>
      %dma_wait3A_425 = tpu.memref_squeeze %dma_wait3A_424 : memref<1x96xi32, #tpu.memory_space<vmem>> -> memref<96xi32, #tpu.memory_space<vmem>>
      %dma_wait3A_426 = arith.constant 0 : i32
      %dma_wait3A_427 = tpu.memref_slice %arg14[%dma_wait3A_426] : memref<16384xf32, #tpu.memory_space<vmem_shared>> -> memref<16384xf32, #tpu.memory_space<vmem_shared>>
      tpu.wait_indirect_dma semaphore(%run_scoped3A_413 : memref<!tpu.dma_semaphore, #tpu.memory_space<semaphore_mem>>) src(%dma_wait3A_422 : memref<96xf32, #tpu.memory_space<vmem>>) dst(%dma_wait3A_427 : memref<16384xf32, #tpu.memory_space<vmem_shared>>)
      tpu.yield
    }) : () -> ()
    %run_scoped3A_409 = arith.constant 2 : i32
    %run_scoped3A_410 = arith.constant 2 : i32
    "tpu.region"() ({
      %run_scoped3A_413 = tpu.sem_alloc : memref<!tpu.dma_semaphore, #tpu.memory_space<semaphore_mem>>
      %dma_start3A = arith.constant 0 : i32
      %dma_start3A_414 = tpu.memref_slice %arg11[%run_scoped3A_409, %dma_start3A] : memref<4x96xf32, #tpu.memory_space<vmem>> -> memref<1x96xf32, #tpu.memory_space<vmem>>
      %dma_start3A_415 = tpu.memref_squeeze %dma_start3A_414 : memref<1x96xf32, #tpu.memory_space<vmem>> -> memref<96xf32, #tpu.memory_space<vmem>>
      %dma_start3A_416 = arith.constant 0 : i32
      %dma_start3A_417 = tpu.memref_slice %arg10[%run_scoped3A_410, %dma_start3A_416] : memref<4x96xi32, #tpu.memory_space<vmem>> -> memref<1x96xi32, #tpu.memory_space<vmem>>
      %dma_start3A_418 = tpu.memref_squeeze %dma_start3A_417 : memref<1x96xi32, #tpu.memory_space<vmem>> -> memref<96xi32, #tpu.memory_space<vmem>>
      %dma_start3A_419 = arith.constant 0 : i32
      %dma_start3A_420 = tpu.memref_slice %arg14[%dma_start3A_419] : memref<16384xf32, #tpu.memory_space<vmem_shared>> -> memref<16384xf32, #tpu.memory_space<vmem_shared>>
      tpu.enqueue_indirect_dma source(%dma_start3A_415 : memref<96xf32, #tpu.memory_space<vmem>>) target(%dma_start3A_420 : memref<16384xf32, #tpu.memory_space<vmem_shared>>) offsets(%dma_start3A_418 : memref<96xi32, #tpu.memory_space<vmem>>) semaphore(%run_scoped3A_413 : memref<!tpu.dma_semaphore, #tpu.memory_space<semaphore_mem>>) {add = true}
      %dma_wait3A = arith.constant 0 : i32
      %dma_wait3A_421 = tpu.memref_slice %arg11[%run_scoped3A_409, %dma_wait3A] : memref<4x96xf32, #tpu.memory_space<vmem>> -> memref<1x96xf32, #tpu.memory_space<vmem>>
      %dma_wait3A_422 = tpu.memref_squeeze %dma_wait3A_421 : memref<1x96xf32, #tpu.memory_space<vmem>> -> memref<96xf32, #tpu.memory_space<vmem>>
      %dma_wait3A_423 = arith.constant 0 : i32
      %dma_wait3A_424 = tpu.memref_slice %arg10[%run_scoped3A_410, %dma_wait3A_423] : memref<4x96xi32, #tpu.memory_space<vmem>> -> memref<1x96xi32, #tpu.memory_space<vmem>>
      %dma_wait3A_425 = tpu.memref_squeeze %dma_wait3A_424 : memref<1x96xi32, #tpu.memory_space<vmem>> -> memref<96xi32, #tpu.memory_space<vmem>>
      %dma_wait3A_426 = arith.constant 0 : i32
      %dma_wait3A_427 = tpu.memref_slice %arg14[%dma_wait3A_426] : memref<16384xf32, #tpu.memory_space<vmem_shared>> -> memref<16384xf32, #tpu.memory_space<vmem_shared>>
      tpu.wait_indirect_dma semaphore(%run_scoped3A_413 : memref<!tpu.dma_semaphore, #tpu.memory_space<semaphore_mem>>) src(%dma_wait3A_422 : memref<96xf32, #tpu.memory_space<vmem>>) dst(%dma_wait3A_427 : memref<16384xf32, #tpu.memory_space<vmem_shared>>)
      tpu.yield
    }) : () -> ()
    %run_scoped3A_411 = arith.constant 3 : i32
    %run_scoped3A_412 = arith.constant 3 : i32
    "tpu.region"() ({
      %run_scoped3A_413 = tpu.sem_alloc : memref<!tpu.dma_semaphore, #tpu.memory_space<semaphore_mem>>
      %dma_start3A = arith.constant 0 : i32
      %dma_start3A_414 = tpu.memref_slice %arg11[%run_scoped3A_411, %dma_start3A] : memref<4x96xf32, #tpu.memory_space<vmem>> -> memref<1x96xf32, #tpu.memory_space<vmem>>
      %dma_start3A_415 = tpu.memref_squeeze %dma_start3A_414 : memref<1x96xf32, #tpu.memory_space<vmem>> -> memref<96xf32, #tpu.memory_space<vmem>>
      %dma_start3A_416 = arith.constant 0 : i32
      %dma_start3A_417 = tpu.memref_slice %arg10[%run_scoped3A_412, %dma_start3A_416] : memref<4x96xi32, #tpu.memory_space<vmem>> -> memref<1x96xi32, #tpu.memory_space<vmem>>
      %dma_start3A_418 = tpu.memref_squeeze %dma_start3A_417 : memref<1x96xi32, #tpu.memory_space<vmem>> -> memref<96xi32, #tpu.memory_space<vmem>>
      %dma_start3A_419 = arith.constant 0 : i32
      %dma_start3A_420 = tpu.memref_slice %arg14[%dma_start3A_419] : memref<16384xf32, #tpu.memory_space<vmem_shared>> -> memref<16384xf32, #tpu.memory_space<vmem_shared>>
      tpu.enqueue_indirect_dma source(%dma_start3A_415 : memref<96xf32, #tpu.memory_space<vmem>>) target(%dma_start3A_420 : memref<16384xf32, #tpu.memory_space<vmem_shared>>) offsets(%dma_start3A_418 : memref<96xi32, #tpu.memory_space<vmem>>) semaphore(%run_scoped3A_413 : memref<!tpu.dma_semaphore, #tpu.memory_space<semaphore_mem>>) {add = true}
      %dma_wait3A = arith.constant 0 : i32
      %dma_wait3A_421 = tpu.memref_slice %arg11[%run_scoped3A_411, %dma_wait3A] : memref<4x96xf32, #tpu.memory_space<vmem>> -> memref<1x96xf32, #tpu.memory_space<vmem>>
      %dma_wait3A_422 = tpu.memref_squeeze %dma_wait3A_421 : memref<1x96xf32, #tpu.memory_space<vmem>> -> memref<96xf32, #tpu.memory_space<vmem>>
      %dma_wait3A_423 = arith.constant 0 : i32
      %dma_wait3A_424 = tpu.memref_slice %arg10[%run_scoped3A_412, %dma_wait3A_423] : memref<4x96xi32, #tpu.memory_space<vmem>> -> memref<1x96xi32, #tpu.memory_space<vmem>>
      %dma_wait3A_425 = tpu.memref_squeeze %dma_wait3A_424 : memref<1x96xi32, #tpu.memory_space<vmem>> -> memref<96xi32, #tpu.memory_space<vmem>>
      %dma_wait3A_426 = arith.constant 0 : i32
      %dma_wait3A_427 = tpu.memref_slice %arg14[%dma_wait3A_426] : memref<16384xf32, #tpu.memory_space<vmem_shared>> -> memref<16384xf32, #tpu.memory_space<vmem_shared>>
      tpu.wait_indirect_dma semaphore(%run_scoped3A_413 : memref<!tpu.dma_semaphore, #tpu.memory_space<semaphore_mem>>) src(%dma_wait3A_422 : memref<96xf32, #tpu.memory_space<vmem>>) dst(%dma_wait3A_427 : memref<16384xf32, #tpu.memory_space<vmem_shared>>)
      tpu.yield
    }) : () -> ()
    %delay3A = arith.constant 65536 : i32
    tpu.delay %delay3A
    "tpu.region"() ({
      %run_scoped3A_413 = tpu.sem_alloc : memref<!tpu.dma_semaphore, #tpu.memory_space<semaphore_mem>>
      %dma_start3A = tpu.memref_slice %arg14[%mul3A_2] : memref<16384xf32, #tpu.memory_space<vmem_shared>> -> memref<1024xf32, #tpu.memory_space<vmem_shared>>
      %dma_start3A_414 = tpu.memref_slice %arg14[%mul3A_2] : memref<16384xf32, #tpu.memory_space<vmem_shared>> -> memref<1024xf32, #tpu.memory_space<vmem_shared>>
      tpu.enqueue_dma source(%dma_start3A_414 : memref<1024xf32, #tpu.memory_space<vmem_shared>>) target(%arg12 : memref<1024xf32, #tpu.memory_space<vmem>>) target_semaphore(%run_scoped3A_413 : memref<!tpu.dma_semaphore, #tpu.memory_space<semaphore_mem>>)
      %dma_wait3A = tpu.memref_slice %arg14[%mul3A_2] : memref<16384xf32, #tpu.memory_space<vmem_shared>> -> memref<1024xf32, #tpu.memory_space<vmem_shared>>
      %dma_wait3A_415 = tpu.memref_slice %arg14[%mul3A_2] : memref<16384xf32, #tpu.memory_space<vmem_shared>> -> memref<1024xf32, #tpu.memory_space<vmem_shared>>
      tpu.wait_dma2 semaphore(%run_scoped3A_413 : memref<!tpu.dma_semaphore, #tpu.memory_space<semaphore_mem>>) src(%dma_wait3A_415 : memref<1024xf32, #tpu.memory_space<vmem_shared>>) dst(%arg12 : memref<1024xf32, #tpu.memory_space<vmem>>)
      tpu.yield
    }) : () -> ()
    "tpu.region"() ({
      %run_scoped3A_413 = tpu.sem_alloc : memref<!tpu.dma_semaphore, #tpu.memory_space<semaphore_mem>>
      %dma_start3A = arith.constant 0 : i32
      %dma_start3A_414 = tpu.memref_slice %arg7[%add3A, %dma_start3A] : memref<32x1024xf32, #tpu.memory_space<hbm>> -> memref<1x1024xf32, #tpu.memory_space<hbm>>
      %dma_start3A_415 = tpu.memref_squeeze %dma_start3A_414 : memref<1x1024xf32, #tpu.memory_space<hbm>> -> memref<1024xf32, #tpu.memory_space<hbm>>
      %dma_start3A_416 = arith.constant 0 : i32
      %dma_start3A_417 = tpu.memref_slice %arg7[%add3A, %dma_start3A_416] : memref<32x1024xf32, #tpu.memory_space<hbm>> -> memref<1x1024xf32, #tpu.memory_space<hbm>>
      %dma_start3A_418 = tpu.memref_squeeze %dma_start3A_417 : memref<1x1024xf32, #tpu.memory_space<hbm>> -> memref<1024xf32, #tpu.memory_space<hbm>>
      tpu.enqueue_dma source(%arg12 : memref<1024xf32, #tpu.memory_space<vmem>>) target(%dma_start3A_418 : memref<1024xf32, #tpu.memory_space<hbm>>) target_semaphore(%run_scoped3A_413 : memref<!tpu.dma_semaphore, #tpu.memory_space<semaphore_mem>>)
      %dma_wait3A = arith.constant 0 : i32
      %dma_wait3A_419 = tpu.memref_slice %arg7[%add3A, %dma_wait3A] : memref<32x1024xf32, #tpu.memory_space<hbm>> -> memref<1x1024xf32, #tpu.memory_space<hbm>>
      %dma_wait3A_420 = tpu.memref_squeeze %dma_wait3A_419 : memref<1x1024xf32, #tpu.memory_space<hbm>> -> memref<1024xf32, #tpu.memory_space<hbm>>
      %dma_wait3A_421 = arith.constant 0 : i32
      %dma_wait3A_422 = tpu.memref_slice %arg7[%add3A, %dma_wait3A_421] : memref<32x1024xf32, #tpu.memory_space<hbm>> -> memref<1x1024xf32, #tpu.memory_space<hbm>>
      %dma_wait3A_423 = tpu.memref_squeeze %dma_wait3A_422 : memref<1x1024xf32, #tpu.memory_space<hbm>> -> memref<1024xf32, #tpu.memory_space<hbm>>
      tpu.wait_dma2 semaphore(%run_scoped3A_413 : memref<!tpu.dma_semaphore, #tpu.memory_space<semaphore_mem>>) src(%arg12 : memref<1024xf32, #tpu.memory_space<vmem>>) dst(%dma_wait3A_423 : memref<1024xf32, #tpu.memory_space<hbm>>)
      tpu.yield
    }) : () -> ()
    return
  }
}

module attributes {stable_mosaic.version = 14 : i64} {
  func.func @_vq_block_kernel(%arg0: i32, %arg1: memref<512x64xf32, #tpu.memory_space<vmem>>, %arg2: memref<512x64xf32, #tpu.memory_space<vmem>>, %arg3: memref<512x64xf32, #tpu.memory_space<vmem>>, %arg4: memref<512x1xi32, #tpu.memory_space<vmem>>, %arg5: memref<1x1xf32, #tpu.memory_space<vmem>>) attributes {dimension_semantics = [#tpu.dimension_semantics<arbitrary>], iteration_bounds = array<i64: 7>, scalar_prefetch = 0 : i64, scratch_operands = 0 : i64, tpu.core_type = #tpu.core_type<tc>, window_params = [{transform_indices = @transform_0, window_bounds = array<i64: 512, 64>}, {pipeline_mode = #tpu.pipeline_mode<synchronous>, transform_indices = @transform_1, window_bounds = array<i64: 512, 64>}, {transform_indices = @transform_2, window_bounds = array<i64: 512, 64>}, {transform_indices = @transform_3, window_bounds = array<i64: 512, 1>}, {pipeline_mode = #tpu.pipeline_mode<synchronous>, transform_indices = @transform_4, window_bounds = array<i64: 1, 1>}]} {
    %eq3A = arith.constant 0 : i32
    %eq3A_0 = arith.cmpi eq, %arg0, %eq3A : i32
    %convert_element_type3A = arith.extui %eq3A_0 : i1 to i32
    %cond3A = arith.constant 0 : i32
    %cond3A_1 = arith.cmpi ne, %convert_element_type3A, %cond3A : i32
    scf.if %cond3A_1 {
      %broadcast_in_dim3A_59 = arith.constant 0.000000e+00 : f32
      %broadcast_in_dim3A_60 = vector.broadcast %broadcast_in_dim3A_59 : f32 to vector<1x1xf32>
      %swap3A_61 = arith.constant 0 : index
      %swap3A_62 = arith.constant 0 : index
      %swap3A_63 = vector.load %arg5[%swap3A_61, %swap3A_62] : memref<1x1xf32, #tpu.memory_space<vmem>>, vector<1x1xf32>
      tpu.vector_store %arg5[%swap3A_61, %swap3A_62], %broadcast_in_dim3A_60 {strides = array<i32>} : memref<1x1xf32, #tpu.memory_space<vmem>>, vector<1x1xf32>,
    } else {
    }
    %get3A = arith.constant 0 : index
    %get3A_2 = arith.constant 0 : index
    %get3A_3 = vector.load %arg1[%get3A, %get3A_2] : memref<512x64xf32, #tpu.memory_space<vmem>>, vector<512x64xf32>
    %get3A_4 = arith.constant 0 : index
    %get3A_5 = arith.constant 0 : index
    %get3A_6 = vector.load %arg2[%get3A_4, %get3A_5] : memref<512x64xf32, #tpu.memory_space<vmem>>, vector<512x64xf32>
    %mul3A = arith.mulf %get3A_3, %get3A_3 : vector<512x64xf32>
    %reduce_sum3A = arith.constant dense<0.000000e+00> : vector<512xf32>
    %reduce_sum3A_7 = vector.multi_reduction <add>, %mul3A, %reduce_sum3A [1] : vector<512x64xf32> to vector<512xf32>
    %broadcast_in_dim3A = vector.shape_cast %reduce_sum3A_7 : vector<512xf32> to vector<512x1xf32>
    %mul3A_8 = arith.mulf %get3A_6, %get3A_6 : vector<512x64xf32>
    %reduce_sum3A_9 = arith.constant dense<0.000000e+00> : vector<512xf32>
    %reduce_sum3A_10 = vector.multi_reduction <add>, %mul3A_8, %reduce_sum3A_9 [1] : vector<512x64xf32> to vector<512xf32>
    %dot_general3A = arith.constant dense<0.000000e+00> : vector<512x512xf32>
    %dot_general3A_11 = tpu.matmul %get3A_3, %get3A_6, %dot_general3A {dimension_numbers = #tpu.dot_dimension_numbers<[1], [1], [0], [0], [0, 0, 1, 0], [], []>, transpose_lhs_hint = false} : vector<512x64xf32>, vector<512x64xf32>, vector<512x512xf32> -> vector<512x512xf32>
    %broadcast_in_dim3A_12 = vector.shape_cast %reduce_sum3A_10 : vector<512xf32> to vector<1x512xf32>
    %add3A = vector.broadcast %broadcast_in_dim3A : vector<512x1xf32> to vector<512x512xf32>
    %add3A_13 = vector.broadcast %broadcast_in_dim3A_12 : vector<1x512xf32> to vector<512x512xf32>
    %add3A_14 = arith.addf %add3A, %add3A_13 : vector<512x512xf32>
    %mul3A_15 = arith.constant 2.000000e+00 : f32
    %mul3A_16 = vector.broadcast %mul3A_15 : f32 to vector<512x512xf32>
    %mul3A_17 = arith.mulf %mul3A_16, %dot_general3A_11 : vector<512x512xf32>
    %sub3A = arith.subf %add3A_14, %mul3A_17 : vector<512x512xf32>
    %reduce_min3A = arith.constant dense<0x7F800000> : vector<512xf32>
    %reduce_min3A_18 = vector.multi_reduction <minimumf>, %sub3A, %reduce_min3A [1] : vector<512x512xf32> to vector<512xf32>
    %broadcast_in_dim3A_19 = vector.shape_cast %reduce_min3A_18 : vector<512xf32> to vector<512x1xf32>
    %iota3A = tpu.iota {dimensions = array<i32: 1>} : vector<512x512xi32>
    %eq3A_20 = vector.broadcast %broadcast_in_dim3A_19 : vector<512x1xf32> to vector<512x512xf32>
    %eq3A_21 = arith.cmpf oeq, %sub3A, %eq3A_20 : vector<512x512xf32>
    %jit3A = arith.constant 512 : i32
    %broadcast_in_dim3A_22 = vector.broadcast %jit3A : i32 to vector<512x512xi32>
    %select_n3A = arith.select %eq3A_21, %iota3A, %broadcast_in_dim3A_22 : vector<512x512xi1>, vector<512x512xi32>
    %reduce_min3A_23 = arith.constant dense<2147483647> : vector<512xi32>
    %reduce_min3A_24 = vector.multi_reduction <minsi>, %select_n3A, %reduce_min3A_23 [1] : vector<512x512xi32> to vector<512xi32>
    %broadcast_in_dim3A_25 = vector.shape_cast %reduce_min3A_24 : vector<512xi32> to vector<512x1xi32>
    %swap3A = arith.constant 0 : index
    %swap3A_26 = arith.constant 0 : index
    %swap3A_27 = vector.load %arg4[%swap3A, %swap3A_26] : memref<512x1xi32, #tpu.memory_space<vmem>>, vector<512x1xi32>
    tpu.vector_store %arg4[%swap3A, %swap3A_26], %broadcast_in_dim3A_25 {strides = array<i32>} : memref<512x1xi32, #tpu.memory_space<vmem>>, vector<512x1xi32>,
    %eq3A_28 = vector.broadcast %broadcast_in_dim3A_25 : vector<512x1xi32> to vector<512x512xi32>
    %eq3A_29 = arith.cmpi eq, %iota3A, %eq3A_28 : vector<512x512xi32>
    %convert_element_type3A_30 = arith.extui %eq3A_29 : vector<512x512xi1> to vector<512x512xi32>
    %convert_element_type3A_31 = arith.sitofp %convert_element_type3A_30 : vector<512x512xi32> to vector<512x512xf32>
    %dot_general3A_32 = arith.constant dense<0.000000e+00> : vector<512x64xf32>
    %dot_general3A_33 = tpu.matmul %convert_element_type3A_31, %get3A_6, %dot_general3A_32 {dimension_numbers = #tpu.dot_dimension_numbers<[1], [0], [0], [1], [0, 0, 1, 1], [], []>, transpose_lhs_hint = false} : vector<512x512xf32>, vector<512x64xf32>, vector<512x64xf32> -> vector<512x64xf32>
    %swap3A_34 = arith.constant 0 : index
    %swap3A_35 = arith.constant 0 : index
    %swap3A_36 = vector.load %arg3[%swap3A_34, %swap3A_35] : memref<512x64xf32, #tpu.memory_space<vmem>>, vector<512x64xf32>
    tpu.vector_store %arg3[%swap3A_34, %swap3A_35], %dot_general3A_33 {strides = array<i32>} : memref<512x64xf32, #tpu.memory_space<vmem>>, vector<512x64xf32>,
    %mul3A_37 = arith.constant 512 : i32
    %mul3A_38 = arith.muli %arg0, %mul3A_37 : i32
    %iota3A_39 = tpu.iota {dimensions = array<i32: 0>} : vector<512x1xi32>
    %add3A_40 = vector.broadcast %mul3A_38 : i32 to vector<512x1xi32>
    %add3A_41 = arith.addi %add3A_40, %iota3A_39 : vector<512x1xi32>
    %lt3A = arith.constant 3136 : i32
    %lt3A_42 = vector.broadcast %lt3A : i32 to vector<512x1xi32>
    %lt3A_43 = arith.cmpi slt, %add3A_41, %lt3A_42 : vector<512x1xi32>
    %convert_element_type3A_44 = arith.extui %lt3A_43 : vector<512x1xi1> to vector<512x1xi32>
    %convert_element_type3A_45 = arith.sitofp %convert_element_type3A_44 : vector<512x1xi32> to vector<512x1xf32>
    %get3A_46 = arith.constant 0 : index
    %get3A_47 = arith.constant 0 : index
    %get3A_48 = vector.load %arg5[%get3A_46, %get3A_47] : memref<1x1xf32, #tpu.memory_space<vmem>>, vector<1x1xf32>
    %mul3A_49 = arith.mulf %broadcast_in_dim3A_19, %convert_element_type3A_45 : vector<512x1xf32>
    %reduce_sum3A_50 = vector.shape_cast %mul3A_49 : vector<512x1xf32> to vector<1x512x1xf32>
    %reduce_sum3A_51 = arith.constant dense<0.000000e+00> : vector<1xf32>
    %reduce_sum3A_52 = vector.multi_reduction <add>, %reduce_sum3A_50, %reduce_sum3A_51 [1, 2] : vector<1x512x1xf32> to vector<1xf32>
    %reduce_sum3A_53 = vector.shape_cast %reduce_sum3A_52 : vector<1xf32> to vector<1x1x1xf32>
    %reduce_sum3A_54 = vector.extract %reduce_sum3A_53[0, 0, 0] : f32 from vector<1x1x1xf32>
    %reshape3A = vector.broadcast %reduce_sum3A_54 : f32 to vector<1x1xf32>
    %add3A_55 = arith.addf %get3A_48, %reshape3A : vector<1x1xf32>
    %swap3A_56 = arith.constant 0 : index
    %swap3A_57 = arith.constant 0 : index
    %swap3A_58 = vector.load %arg5[%swap3A_56, %swap3A_57] : memref<1x1xf32, #tpu.memory_space<vmem>>, vector<1x1xf32>
    tpu.vector_store %arg5[%swap3A_56, %swap3A_57], %add3A_55 {strides = array<i32>} : memref<1x1xf32, #tpu.memory_space<vmem>>, vector<1x1xf32>,
    return
  }
  func.func @transform_0(%arg0: i32) -> (i32, i32) {
    %c0_i32 = arith.constant 0 : i32
    %c0_i32_0 = arith.constant 0 : i32
    return %arg0, %c0_i32 : i32, i32
  }
  func.func @transform_1(%arg0: i32) -> (i32, i32) {
    %c0_i32 = arith.constant 0 : i32
    %c0_i32_0 = arith.constant 0 : i32
    %c0_i32_1 = arith.constant 0 : i32
    return %c0_i32, %c0_i32_0 : i32, i32
  }
  func.func @transform_2(%arg0: i32) -> (i32, i32) {
    %c0_i32 = arith.constant 0 : i32
    %c0_i32_0 = arith.constant 0 : i32
    return %arg0, %c0_i32 : i32, i32
  }
  func.func @transform_3(%arg0: i32) -> (i32, i32) {
    %c0_i32 = arith.constant 0 : i32
    %c0_i32_0 = arith.constant 0 : i32
    return %arg0, %c0_i32 : i32, i32
  }
  func.func @transform_4(%arg0: i32) -> (i32, i32) {
    %c0_i32 = arith.constant 0 : i32
    %c0_i32_0 = arith.constant 0 : i32
    %c0_i32_1 = arith.constant 0 : i32
    return %c0_i32, %c0_i32_0 : i32, i32
  }
}

module attributes {stable_mosaic.version = 14 : i64} {
  func.func @_vq_block_kernel(%arg0: i32, %arg1: memref<512x64xf32, #tpu.memory_space<vmem>>, %arg2: memref<512x64xf32, #tpu.memory_space<vmem>>, %arg3: memref<512x64xf32, #tpu.memory_space<vmem>>, %arg4: memref<512x1xi32, #tpu.memory_space<vmem>>, %arg5: memref<1x1xf32, #tpu.memory_space<vmem>>) attributes {dimension_semantics = [#tpu.dimension_semantics<arbitrary>], iteration_bounds = array<i64: 24>, scalar_prefetch = 0 : i64, scratch_operands = 0 : i64, tpu.core_type = #tpu.core_type<tc>, window_params = [{transform_indices = @transform_0, window_bounds = array<i64: 512, 64>}, {pipeline_mode = #tpu.pipeline_mode<synchronous>, transform_indices = @transform_1, window_bounds = array<i64: 512, 64>}, {transform_indices = @transform_2, window_bounds = array<i64: 512, 64>}, {transform_indices = @transform_3, window_bounds = array<i64: 512, 1>}, {pipeline_mode = #tpu.pipeline_mode<synchronous>, transform_indices = @transform_4, window_bounds = array<i64: 1, 1>}]} {
    %eq3A = arith.constant 0 : i32
    %eq3A_0 = arith.cmpi eq, %arg0, %eq3A : i32
    %convert_element_type3A = arith.extui %eq3A_0 : i1 to i32
    %cond3A = arith.constant 0 : i32
    %cond3A_1 = arith.cmpi ne, %convert_element_type3A, %cond3A : i32
    scf.if %cond3A_1 {
      %broadcast_in_dim3A_59 = arith.constant 0.000000e+00 : f32
      %broadcast_in_dim3A_60 = vector.broadcast %broadcast_in_dim3A_59 : f32 to vector<1x1xf32>
      %swap3A_61 = arith.constant 0 : index
      %swap3A_62 = arith.constant 0 : index
      %swap3A_63 = vector.load %arg5[%swap3A_61, %swap3A_62] : memref<1x1xf32, #tpu.memory_space<vmem>>, vector<1x1xf32>
      tpu.vector_store %arg5[%swap3A_61, %swap3A_62], %broadcast_in_dim3A_60 {strides = array<i32>} : memref<1x1xf32, #tpu.memory_space<vmem>>, vector<1x1xf32>,
    } else {
    }
    %get3A = arith.constant 0 : index
    %get3A_2 = arith.constant 0 : index
    %get3A_3 = vector.load %arg1[%get3A, %get3A_2] : memref<512x64xf32, #tpu.memory_space<vmem>>, vector<512x64xf32>
    %get3A_4 = arith.constant 0 : index
    %get3A_5 = arith.constant 0 : index
    %get3A_6 = vector.load %arg2[%get3A_4, %get3A_5] : memref<512x64xf32, #tpu.memory_space<vmem>>, vector<512x64xf32>
    %mul3A = arith.mulf %get3A_3, %get3A_3 : vector<512x64xf32>
    %reduce_sum3A = arith.constant dense<0.000000e+00> : vector<512xf32>
    %reduce_sum3A_7 = vector.multi_reduction <add>, %mul3A, %reduce_sum3A [1] : vector<512x64xf32> to vector<512xf32>
    %broadcast_in_dim3A = vector.shape_cast %reduce_sum3A_7 : vector<512xf32> to vector<512x1xf32>
    %mul3A_8 = arith.mulf %get3A_6, %get3A_6 : vector<512x64xf32>
    %reduce_sum3A_9 = arith.constant dense<0.000000e+00> : vector<512xf32>
    %reduce_sum3A_10 = vector.multi_reduction <add>, %mul3A_8, %reduce_sum3A_9 [1] : vector<512x64xf32> to vector<512xf32>
    %dot_general3A = arith.constant dense<0.000000e+00> : vector<512x512xf32>
    %dot_general3A_11 = tpu.matmul %get3A_3, %get3A_6, %dot_general3A {dimension_numbers = #tpu.dot_dimension_numbers<[1], [1], [0], [0], [0, 0, 1, 0], [], []>, transpose_lhs_hint = false} : vector<512x64xf32>, vector<512x64xf32>, vector<512x512xf32> -> vector<512x512xf32>
    %broadcast_in_dim3A_12 = vector.shape_cast %reduce_sum3A_10 : vector<512xf32> to vector<1x512xf32>
    %add3A = vector.broadcast %broadcast_in_dim3A : vector<512x1xf32> to vector<512x512xf32>
    %add3A_13 = vector.broadcast %broadcast_in_dim3A_12 : vector<1x512xf32> to vector<512x512xf32>
    %add3A_14 = arith.addf %add3A, %add3A_13 : vector<512x512xf32>
    %mul3A_15 = arith.constant 2.000000e+00 : f32
    %mul3A_16 = vector.broadcast %mul3A_15 : f32 to vector<512x512xf32>
    %mul3A_17 = arith.mulf %mul3A_16, %dot_general3A_11 : vector<512x512xf32>
    %sub3A = arith.subf %add3A_14, %mul3A_17 : vector<512x512xf32>
    %reduce_min3A = arith.constant dense<0x7F800000> : vector<512xf32>
    %reduce_min3A_18 = vector.multi_reduction <minimumf>, %sub3A, %reduce_min3A [1] : vector<512x512xf32> to vector<512xf32>
    %broadcast_in_dim3A_19 = vector.shape_cast %reduce_min3A_18 : vector<512xf32> to vector<512x1xf32>
    %iota3A = tpu.iota {dimensions = array<i32: 1>} : vector<512x512xi32>
    %eq3A_20 = vector.broadcast %broadcast_in_dim3A_19 : vector<512x1xf32> to vector<512x512xf32>
    %eq3A_21 = arith.cmpf oeq, %sub3A, %eq3A_20 : vector<512x512xf32>
    %jit3A = arith.constant 512 : i32
    %broadcast_in_dim3A_22 = vector.broadcast %jit3A : i32 to vector<512x512xi32>
    %select_n3A = arith.select %eq3A_21, %iota3A, %broadcast_in_dim3A_22 : vector<512x512xi1>, vector<512x512xi32>
    %reduce_min3A_23 = arith.constant dense<2147483647> : vector<512xi32>
    %reduce_min3A_24 = vector.multi_reduction <minsi>, %select_n3A, %reduce_min3A_23 [1] : vector<512x512xi32> to vector<512xi32>
    %broadcast_in_dim3A_25 = vector.shape_cast %reduce_min3A_24 : vector<512xi32> to vector<512x1xi32>
    %swap3A = arith.constant 0 : index
    %swap3A_26 = arith.constant 0 : index
    %swap3A_27 = vector.load %arg4[%swap3A, %swap3A_26] : memref<512x1xi32, #tpu.memory_space<vmem>>, vector<512x1xi32>
    tpu.vector_store %arg4[%swap3A, %swap3A_26], %broadcast_in_dim3A_25 {strides = array<i32>} : memref<512x1xi32, #tpu.memory_space<vmem>>, vector<512x1xi32>,
    %eq3A_28 = vector.broadcast %broadcast_in_dim3A_25 : vector<512x1xi32> to vector<512x512xi32>
    %eq3A_29 = arith.cmpi eq, %iota3A, %eq3A_28 : vector<512x512xi32>
    %convert_element_type3A_30 = arith.extui %eq3A_29 : vector<512x512xi1> to vector<512x512xi32>
    %convert_element_type3A_31 = arith.sitofp %convert_element_type3A_30 : vector<512x512xi32> to vector<512x512xf32>
    %dot_general3A_32 = arith.constant dense<0.000000e+00> : vector<512x64xf32>
    %dot_general3A_33 = tpu.matmul %convert_element_type3A_31, %get3A_6, %dot_general3A_32 {dimension_numbers = #tpu.dot_dimension_numbers<[1], [0], [0], [1], [0, 0, 1, 1], [], []>, transpose_lhs_hint = false} : vector<512x512xf32>, vector<512x64xf32>, vector<512x64xf32> -> vector<512x64xf32>
    %swap3A_34 = arith.constant 0 : index
    %swap3A_35 = arith.constant 0 : index
    %swap3A_36 = vector.load %arg3[%swap3A_34, %swap3A_35] : memref<512x64xf32, #tpu.memory_space<vmem>>, vector<512x64xf32>
    tpu.vector_store %arg3[%swap3A_34, %swap3A_35], %dot_general3A_33 {strides = array<i32>} : memref<512x64xf32, #tpu.memory_space<vmem>>, vector<512x64xf32>,
    %mul3A_37 = arith.constant 512 : i32
    %mul3A_38 = arith.muli %arg0, %mul3A_37 : i32
    %iota3A_39 = tpu.iota {dimensions = array<i32: 0>} : vector<512x1xi32>
    %add3A_40 = vector.broadcast %mul3A_38 : i32 to vector<512x1xi32>
    %add3A_41 = arith.addi %add3A_40, %iota3A_39 : vector<512x1xi32>
    %lt3A = arith.constant 12100 : i32
    %lt3A_42 = vector.broadcast %lt3A : i32 to vector<512x1xi32>
    %lt3A_43 = arith.cmpi slt, %add3A_41, %lt3A_42 : vector<512x1xi32>
    %convert_element_type3A_44 = arith.extui %lt3A_43 : vector<512x1xi1> to vector<512x1xi32>
    %convert_element_type3A_45 = arith.sitofp %convert_element_type3A_44 : vector<512x1xi32> to vector<512x1xf32>
    %get3A_46 = arith.constant 0 : index
    %get3A_47 = arith.constant 0 : index
    %get3A_48 = vector.load %arg5[%get3A_46, %get3A_47] : memref<1x1xf32, #tpu.memory_space<vmem>>, vector<1x1xf32>
    %mul3A_49 = arith.mulf %broadcast_in_dim3A_19, %convert_element_type3A_45 : vector<512x1xf32>
    %reduce_sum3A_50 = vector.shape_cast %mul3A_49 : vector<512x1xf32> to vector<1x512x1xf32>
    %reduce_sum3A_51 = arith.constant dense<0.000000e+00> : vector<1xf32>
    %reduce_sum3A_52 = vector.multi_reduction <add>, %reduce_sum3A_50, %reduce_sum3A_51 [1, 2] : vector<1x512x1xf32> to vector<1xf32>
    %reduce_sum3A_53 = vector.shape_cast %reduce_sum3A_52 : vector<1xf32> to vector<1x1x1xf32>
    %reduce_sum3A_54 = vector.extract %reduce_sum3A_53[0, 0, 0] : f32 from vector<1x1x1xf32>
    %reshape3A = vector.broadcast %reduce_sum3A_54 : f32 to vector<1x1xf32>
    %add3A_55 = arith.addf %get3A_48, %reshape3A : vector<1x1xf32>
    %swap3A_56 = arith.constant 0 : index
    %swap3A_57 = arith.constant 0 : index
    %swap3A_58 = vector.load %arg5[%swap3A_56, %swap3A_57] : memref<1x1xf32, #tpu.memory_space<vmem>>, vector<1x1xf32>
    tpu.vector_store %arg5[%swap3A_56, %swap3A_57], %add3A_55 {strides = array<i32>} : memref<1x1xf32, #tpu.memory_space<vmem>>, vector<1x1xf32>,
    return
  }
  func.func @transform_0(%arg0: i32) -> (i32, i32) {
    %c0_i32 = arith.constant 0 : i32
    %c0_i32_0 = arith.constant 0 : i32
    return %arg0, %c0_i32 : i32, i32
  }
  func.func @transform_1(%arg0: i32) -> (i32, i32) {
    %c0_i32 = arith.constant 0 : i32
    %c0_i32_0 = arith.constant 0 : i32
    %c0_i32_1 = arith.constant 0 : i32
    return %c0_i32, %c0_i32_0 : i32, i32
  }
  func.func @transform_2(%arg0: i32) -> (i32, i32) {
    %c0_i32 = arith.constant 0 : i32
    %c0_i32_0 = arith.constant 0 : i32
    return %arg0, %c0_i32 : i32, i32
  }
  func.func @transform_3(%arg0: i32) -> (i32, i32) {
    %c0_i32 = arith.constant 0 : i32
    %c0_i32_0 = arith.constant 0 : i32
    return %arg0, %c0_i32 : i32, i32
  }
  func.func @transform_4(%arg0: i32) -> (i32, i32) {
    %c0_i32 = arith.constant 0 : i32
    %c0_i32_0 = arith.constant 0 : i32
    %c0_i32_1 = arith.constant 0 : i32
    return %c0_i32, %c0_i32_0 : i32, i32
  }
}

</mosaic_0001>

<sc_bundles>
// kernel: kernel.5.cloned.1.call-start
scs
__scs_entry_jumppad:
0x0: {  	(pc) =	sbr.rel $0x88, $3  }
0x1: {  	(tag) =	ssettag $0x0;
	lr =	simm.s32 $0x1  }
0x2: {  	[smem:$0x3F74] =	sst lr;
	_ =	strace $0xD0000000  }
0x3: {  	_ = 	snop  }
0x4: {  	_ = 	snop  }
0x5: {  	_ = 	snop  }
0x6: {  	_ = 	snop  }
0x7: {  	_ = 	snop  }
__scs_overlays_trampoline_lowered:
0x8: {  	[smem:$0x3F83] =	sst s0  }
0x9: {  	[smem:$0x3F84] =	sst s1  }
0xa: {  	[smem:$0x3F85] =	sst s2  }
0xb: {  	[smem:$0x3F86] =	sst s3  }
0xc: {  	[smem:$0x3F87] =	sst s4  }
0xd: {  	[smem:$0x3F88] =	sst s5  }
0xe: {  	[smem:$0x3F89] =	sst s6  }
0xf: {  	[smem:$0x3F8A] =	sst s7  }
0x10: {  	[smem:$0x3F8B] =	sst s8  }
0x11: {  	[smem:$0x3F8C] =	sst s9;
	s0 =	simm.s32 @!p0 $0x0  }
0x12: {  	s1 =	sld [smem:$0x3F72];
	s0 =	simm.s32 @p0 $0x1  }
0x13: {  	[smem:$0x3F8D] =	sst s0;
	s0 =	simm.s32 @!p1 $0x0  }
0x14: {  	s2 =	sld [smem:$0x3F71];
	s0 =	simm.s32 @p1 $0x1  }
0x15: {  	[smem:$0x3F8E] =	sst s0;
	s0 =	simm.s32 @!p2 $0x0  }
0x16: {  	s3 =	sld [smem:$0x3FDB];
	s0 =	simm.s32 @p2 $0x1  }
0x17: {  	s4 =	simm.s32 $0x1BF5;
	[smem:$0x3F90] =	sst s0  }
0x18: {  	s0 =	sld [smem:$0x3F73];
	_ =	swait.ge [sflag:s4], $0x0  }
0x19: {  	s7 =	sld [smem:$0x3F74]  }
0x1a: {  	s8 =	sadd.s32 $0xFFFFE003, lr  }
0x1b: {  	s9 =	sadd.s32 $0xFFFFFEF7, lr;
	s5 =	simm.s32 $0xFFFFFFFF;
	p2 =	slt.u32 s8, $0xFFFFF086  }
0x1c: {  	p1 =	slt.u32 s9, $0xF7A;
	s5 =	simm.s32 @!p2 $0x0  }
0x1d: {  	s5 =	simm.s32 @p1 $0x1;
	p0 =	seq.s32 s7, s2  }
0x1e: {  	s7 =	smul.u32 @!p0 $0xF7A, s2;
	p2 =	seq.s32 @!p0 s5, $0x0  }
0x1f: {  	s9 =	smul.u32 $0xF7A, s1;
	s8 =	simm.s32 @!p0 $0x1BF5;
	p2 =	por !p2, p0  }
0x20: {  	[sflag:s8] =	ssyncset.s32 @!p0 $0xFFFFF086;
	s6 =	sadd.s32 @!p0 s3, s7;
	s7 =	simm.s32 @!p0 $0x108  }
0x21: {  	s3 =	sadd.s32 s3, s9;
	s6 =	sadd.s32 @!p0 $0x88, s6;
	s7 =	simm.s32 @p2 $0x1082  }
0x22: {  	[simem:s7], [sflag:s8] =	dma.local @!p0 [hbm:s6], $0xF7A  }
0x23: {  	s9 =	sor.u32 $0xD0000000, s2;
	s6 =	simm.s32 $0x108;
	_ =	swait.ge @!p0 [sflag:s8], $0x0  }
0x24: {  	s3 =	sadd.s32 $0x88, s3;
	s6 =	simm.s32 @!p1 $0x1082;
	[sflag:s4] =	ssyncset.s32 $0xFFFFF086  }
0x25: {  	[simem:s6], [sflag:s4] =	dma.local [hbm:s3], $0xF7A  }
0x26: {  	[smem:$0x3F74] =	sst s1;
	(tag) =	ssettag s2;
	_ =	strace s9  }
0x27: {  	s1 =	sld [smem:$0x3F84]  }
0x28: {  	s2 =	sld [smem:$0x3F85]  }
0x29: {  	s4 =	sld [smem:$0x3F87]  }
0x2a: {  	p0 =	seq.s32 s5, $0x0;
	s5 =	sld [smem:$0x3F88]  }
0x2b: {  	s6 =	sld [smem:$0x3F89]  }
0x2c: {  	s7 =	sld [smem:$0x3F8A]  }
0x2d: {  	s3 =	simm.s32 $0x108;
	s8 =	sld [smem:$0x3F8B]  }
0x2e: {  	s3 =	simm.s32 @!p0 $0x1082;
	s9 =	sld [smem:$0x3F8C]  }
0x2f: {  	lr =	sadd.s32 s0, s3;
	s0 =	sld [smem:$0x3F83]  }
0x30: {  	s3 =	sld [smem:$0x3F86]  }
0x31: {  	[smem:$0x3F8F] =	sst s10  }
0x32: {  	s10 =	sld [smem:$0x3F8D];
	_ =	sdelay $0x3  }
0x33: {  	p0 =	seq.s32 s10, $0x1;
	s10 =	sld [smem:$0x3F8F];
	_ =	sdelay $0x3  }
0x34: {  	[smem:$0x3F8F] =	sst s10  }
0x35: {  	s10 =	sld [smem:$0x3F8E];
	_ =	sdelay $0x3  }
0x36: {  	p1 =	seq.s32 s10, $0x1;
	s10 =	sld [smem:$0x3F8F];
	_ =	sdelay $0x3  }
0x37: {  	[smem:$0x3F8F] =	sst s10  }
0x38: {  	s10 =	sld [smem:$0x3F90]  }
0x39: {  	_ = 	snop;
	(pc) =	sbr.ind lr, $3  }
0x3a: {  	_ = 	snop  }
0x3b: {  	_ = 	snop  }
0x3c: {  	p2 =	seq.s32 s10, $0x1;
	s10 =	sld [smem:$0x3F8F]  }
0x3d: {  	_ =	shalt  }
0x3e: {  	_ =	shalt  }
0x3f: {  	_ =	shalt  }
0x40: {  	_ =	shalt  }
0x41: {  	_ =	shalt  }
0x42: {  	_ =	shalt  }
0x43: {  	_ =	shalt  }
0x44: {  	_ =	shalt  }
0x45: {  	_ =	shalt  }
0x46: {  	_ =	shalt  }
0x47: {  	_ =	shalt  }
0x48: {  	_ =	shalt  }
0x49: {  	_ =	shalt  }
0x4a: {  	_ =	shalt  }
0x4b: {  	_ =	shalt  }
0x4c: {  	_ =	shalt  }
0x4d: {  	_ =	shalt  }
0x4e: {  	_ =	shalt  }
0x4f: {  	_ =	shalt  }
0x50: {  	_ =	shalt  }
0x51: {  	_ =	shalt  }
0x52: {  	_ =	shalt  }
0x53: {  	_ =	shalt  }
0x54: {  	_ =	shalt  }
0x55: {  	_ =	shalt  }
0x56: {  	_ =	shalt  }
0x57: {  	_ =	shalt  }
0x58: {  	_ =	shalt  }
0x59: {  	_ =	shalt  }
0x5a: {  	_ =	shalt  }
0x5b: {  	_ =	shalt  }
0x5c: {  	_ =	shalt  }
0x5d: {  	_ =	shalt  }
0x5e: {  	_ =	shalt  }
0x5f: {  	_ =	shalt  }
0x60: {  	_ =	shalt  }
0x61: {  	_ =	shalt  }
0x62: {  	_ =	shalt  }
0x63: {  	_ =	shalt  }
0x64: {  	_ =	shalt  }
0x65: {  	_ =	shalt  }
0x66: {  	_ =	shalt  }
0x67: {  	_ =	shalt  }
0x68: {  	_ =	shalt  }
0x69: {  	_ =	shalt  }
0x6a: {  	_ =	shalt  }
0x6b: {  	_ =	shalt  }
0x6c: {  	_ =	shalt  }
0x6d: {  	_ =	shalt  }
0x6e: {  	_ =	shalt  }
0x6f: {  	_ =	shalt  }
0x70: {  	_ =	shalt  }
0x71: {  	_ =	shalt  }
0x72: {  	_ =	shalt  }
0x73: {  	_ =	shalt  }
0x74: {  	_ =	shalt  }
0x75: {  	_ =	shalt  }
0x76: {  	_ =	shalt  }
0x77: {  	_ =	shalt  }
0x78: {  	_ =	shalt  }
0x79: {  	_ =	shalt  }
0x7a: {  	_ =	shalt  }
0x7b: {  	_ =	shalt  }
0x7c: {  	_ =	shalt  }
0x7d: {  	_ =	shalt  }
0x7e: {  	_ =	shalt  }
0x7f: {  	_ =	shalt  }
0x80: {  	_ =	shalt  }
0x81: {  	_ =	shalt  }
0x82: {  	_ =	shalt  }
0x83: {  	_ =	shalt  }
0x84: {  	_ =	shalt  }
0x85: {  	_ =	shalt  }
0x86: {  	_ =	shalt  }
0x87: {  	_ =	shalt  }
.Lfunc_end0:
.L_simem_size_0:
called_computation_lowered:
.L_overlay_start_0:
0x88: {  	s2 =	sld [smem:$0x3FD9]  }
0x89: {  	s3 =	sld [smem:$0x3FFE];
	_ =	sdelay $0x1  }
0x8a: {  	s1 =	srdreg.scid  }
0x8b: {  	s0 =	sand.u32 $0x1, s1  }
0x8c: {  	s16 =	sshll.u32 s0, $0xA;
	s2 =	sadd.s32 s3, s2  }
0x8d: {  	s2 =	sadd.s32 s2, s16  }
0x8e: {  	[smem:$0x3F9B] =	sst s2  }
0x8f: {  	_ = 	snop  }
0x90: {  	(tm) =	ssettm $0x1  }
0x91: {  	s17 =	sld [smem:$0x3FFB];
	_ =	sdelay $0x3  }
0x92: {  	_ =	strace s17  }
0x93: {  	s2 =	sld [smem:$0x3FFC];
	_ =	sdelay $0x3  }
0x94: {  	_ =	strace s2  }
0x95: {  	s2 =	sld [smem:$0x3FFD];
	_ =	sdelay $0x3  }
0x96: {  	_ =	strace s2  }
0x97: {  	_ =	strace $0x8FFFFFFF  }
0x98: {  	s18 =	sld [smem:$0x3FDB];
	_ =	sdelay $0x1  }
0x99: {  	s19 =	simm.s32 $_scs_section_size  }
0x9a: {  	s4 =	simm.s32 $_size__tile_overlayer_lowered;
	s5 =	simm.s32 $_tile_overlayer_lowered  }
0x9b: {  	s22 =	simm.s32 $0x1BFF;
	s21 =	sshll.u32 s5, $0x1;
	s2 =	sadd.s32 s19, s18  }
0x9c: {  	s6 =	simm.s32 $0x0;
	s20 =	sshll.u32 s4, $0x1;
	s4 =	sadd.s32 s21, s2  }
0x9d: {  	[timem:s6], [sflag:s22] =	dma.local [hbm:s4], s20  }
0x9e: {  	_ =	swait.ge [sflag:s22], s20  }
0x9f: {  	s3 =	ssub.s32 $0x0, s20;
	[sflag:s22] =	ssyncset.done $0x0  }
0xa0: {  	[sflag:s22] =	ssyncadd.s32 s3;
	_ =	sdelay $0x1  }
0xa1: {  	s23 =	simm.s32 $0x1B8B  }
0xa2: {  	_ =	swait.ge [sflag:s23], $0x1  }
0xa3: {  	[sflag:s23] =	ssyncset.done $0x0  }
0xa4: {  	s25 =	simm.s32 $0x1B8E;
	s24 =	sld [smem:$0x3FFE];
	[sflag:s23] =	ssyncadd.s32 $0xFFFFFFFF  }
0xa5: {  	s26 =	simm.s32 $execute0_lowered;
	[smem:$0x3FD2] =	sst s25  }
0xa6: {  	s4 =	sshll.u32 s26, $0x1;
	_ =	strace $0x80000046;
	[dreg:$0x1] =	wrdreg $0xFFFFFFFF  }
0xa7: {  	s28 =	simm.s32 $_size_execute0_lowered;
	s2 =	sadd.s32 s2, s4;
	[dreg:$0x0] =	wrdreg $0x0  }
0xa8: {  	s4 =	sshll.u32 s28, $0x1;
	[dreg:$0x2] =	wrdreg s2  }
0xa9: {  	[dreg:$0x3] =	wrdreg s4  }
0xaa: {  	[dreg:$0x4] =	wrdreg $0xC0  }
0xab: {  	_ =	task [dreg:s6], $0x5FFFF  }
0xac: {  	[dreg:$0x1] =	wrdreg $0xFFFFFFFF  }
0xad: {  	[dreg:$0x0] =	wrdreg $0x60  }
0xae: {  	[dreg:$0x2] =	wrdreg s24  }
0xaf: {  	[dreg:$0x3] =	wrdreg $0x9000  }
0xb0: {  	[dreg:$0x4] =	wrdreg $0x9  }
0xb1: {  	_ =	task.clear_ibuf [dreg:s6], $0x5FFFF;
	_ =	strace $0x90000046  }
0xb2: {  	s29 =	simm.s32 $0x9;
	_ =	strace $0x80000048  }
0xb3: {  	_ =	swait.ge [sflag:s29], $0x1  }
0xb4: {  	[sflag:s29] =	ssyncadd.s32 $0xFFFFFFFF  }
0xb5: {  	_ =	strace $0x90000048  }
0xb6: {  	_ =	sfence  }
0xb7: {  	s30 =	sld [smem:$0x0];
	_ =	sdelay $0x2  }
0xb8: {  	s31 =	sshll.u32 s1, $0xD;
	s1 =	sshrl.u32 s1, $0x2  }
0xb9: {  	s3 =	sand.u32 $0x4000, s31;
	s1 =	sadd.s32 s1, s30  }
0xba: {  	s0 =	sor.u32 s3, s0;
	s1 =	sshll.u32 s1, $0x11  }
0xbb: {  	s0 =	sor.u32 s1, s0  }
0xbc: {  	s0 =	sadd.s32 $0x8F2B, s0  }
0xbd: {  	[sflag:s0] =	ssyncadd.remote.s32 $0x1  }
0xbe: {  	_ =	sfence.sel $0xFFFF  }
0xbf: {  	[dreg:$0x0] =	wrdreg $0xFFFFFFFF;
	(pc) =	sbr.abs _section_cstart, $3  }
0xc0: {  	[dreg:$0x1] =	wrdreg $0xFFFFFFFF  }
0xc1: {  	_ =	task.clear_ibuf [dreg:s6], $0x2FFFF;
	_ =	strace $0x9FFFFFFF  }
0xc2: {  	(tm) =	ssettm $0x7FFFFFFF  }
0xc3: {  	_ =	shalt  }
tec
execute0_lowered:
.L_overlay_start_1:
0x0: {  	(tag) =	ssettag $0x1  }
0x1: {  	s1 =	srdreg.scid;
	s0 =	stileid.u32  }
0x2: {  	s25 =	sand.u32 $0x1, s1;
	s30 =	sshll.u32 s0, $0x1  }
0x3: {  	s24 =	rddreg [dreg:$0x0];
	s8 =	sor.u32 s25, s30  }
0x4: {  	s4 =	rddreg [dreg:$0x1];
	s5 =	simm.s32 $0x0;
	s26 =	sshll.u32 s8, $0x4  }
0x5: {  	s2 =	simm.s32 $0x1;
	[smem:$0x7FF] =	sst s5;
	s3 =	sadd.s32 s26, s24  }
0x6: {  	s1 =	rddreg [dreg:$0x2];
	_ =	strace $0x80000047;
	s6 =	sadd.s32 $0x8E00, s3  }
0x7: {  	[tilespmem:s5], [sflag:$0x1] =	stream.linear.gather [hbm4b:s6+s5], $0x80, $0x38;
	[tilespmem:$0xD00] =	vst v63  }
0x8: {  	_ =	swait.ge [sflag:s2], $0x80  }
0x9: {  	[sflag:s2] =	ssyncset.done $0x0  }
0xa: {  	s7 =	sadd.s32 $0x8C00, s3;
	s3 =	simm.s32 $0x80;
	[sflag:s2] =	ssyncadd.s32 $0xFFFFFF80  }
0xb: {  	[tilespmem:s3], [sflag:$0x1] =	stream.linear.gather [hbm4b:s7+s5], $0x80, $0x38;
	[tilespmem:$0xD00] =	vst v63  }
0xc: {  	s8 =	sshll.u32 s8, $0x6;
	_ =	swait.ge [sflag:s2], $0x80  }
0xd: {  	s10 =	sadd.s32 s8, s24;
	[sflag:s2] =	ssyncset.done $0x0  }
0xe: {  	s9 =	simm.s32 $0x100;
	s8 =	sadd.s32 $0x9000, s10;
	[sflag:s2] =	ssyncadd.s32 $0xFFFFFF80  }
0xf: {  	[tilespmem:s9], [sflag:$0x1] =	stream.linear.gather [hbm4b:s8+s5], $0x200, $0x38;
	[tilespmem:$0xD00] =	vst v63  }
0x10: {  	_ =	swait.ge [sflag:s2], $0x200  }
0x11: {  	[sflag:s2] =	ssyncset.done $0x0  }
0x12: {  	s11 =	simm.s32 $0x300;
	s10 =	sadd.s32 $0x8400, s10;
	[sflag:s2] =	ssyncadd.s32 $0xFFFFFE00  }
0x13: {  	[tilespmem:s11], [sflag:$0x1] =	stream.linear.gather [hbm4b:s10+s5], $0x200, $0x38;
	[tilespmem:$0xD00] =	vst v63  }
0x14: {  	_ =	swait.ge [sflag:s2], $0x200  }
0x15: {  	[sflag:s2] =	ssyncset.done $0x0  }
0x16: {  	[sflag:s2] =	ssyncadd.s32 $0xFFFFFE00  }
0x17: {  	v1 =	vld [tilespmem:$0x2D0]  }
0x18: {  	v2 =	vld [tilespmem:$0x2A0]  }
0x19: {  	v4 =	vld [tilespmem:$0x2B0]  }
0x1a: {  	s12 =	sshll.u32 s0, $0xA;
	v6 =	vld [tilespmem:$0x290]  }
0x1b: {  	v0 =	vmov s12;
	v7 =	vld [tilespmem:$0x280]  }
0x1c: {  	v50 =	vld [tilespmem:$0x140];
	v1 =	vadd.s32 v0, v1  }
0x1d: {  	v54 =	vld [tilespmem:$0x180];
	v2 =	vadd.s32 v0, v2;
	[tilespmem:$0x2D0] =	vst v1  }
0x1e: {  	v3 =	vld [tilespmem:$0x2C0];
	v4 =	vadd.s32 v0, v4;
	[tilespmem:$0x2A0] =	vst v2  }
0x1f: {  	v5 =	vld [tilespmem:$0x200];
	v49 =	vadd.s32 v0, v6;
	[tilespmem:$0x2B0] =	vst v4  }
0x20: {  	v61 =	vld [tilespmem:$0x20];
	v7 =	vadd.s32 v0, v7;
	[tilespmem:$0x290] =	vst v49  }
0x21: {  	v51 =	vld [tilespmem:$0x1D0];
	v53 =	vadd.s32 v0, v50;
	[tilespmem:$0x280] =	vst v7  }
0x22: {  	v6 =	vadd.s32 v0, v54;
	v1 =	vld [tilespmem:$0x250];
	[tilespmem:$0x140] =	vst v53  }
0x23: {  	v2 =	vadd.s32 v0, v3;
	v3 =	vld [tilespmem:$0x230];
	[tilespmem:$0x180] =	vst v6  }
0x24: {  	v52 =	vld [tilespmem:$0x1C0];
	[tilespmem:$0x2C0] =	vst v2;
	v2 =	vadd.s32 v0, v5  }
0x25: {  	v63 =	vadd.s32 v0, v61;
	[tilespmem:$0x200] =	vst v2;
	v2 =	vld [tilespmem:$0x210]  }
0x26: {  	v58 =	vld [tilespmem:$0x60];
	v4 =	vadd.s32 v0, v51;
	[tilespmem:$0x20] =	vst v63  }
0x27: {  	v48 =	vld [tilespmem:$0x220];
	[tilespmem:$0x1D0] =	vst v4;
	v1 =	vadd.s32 v0, v1  }
0x28: {  	v3 =	vadd.s32 v0, v3;
	[tilespmem:$0x250] =	vst v1;
	v1 =	vld [tilespmem:$0x1B0]  }
0x29: {  	v7 =	vadd.s32 v0, v52;
	[tilespmem:$0x230] =	vst v3;
	v3 =	vld [tilespmem:$0x190]  }
0x2a: {  	v56 =	vld [tilespmem:$0x130];
	[tilespmem:$0x1C0] =	vst v7;
	v2 =	vadd.s32 v0, v2  }
0x2b: {  	v6 =	vadd.s32 v0, v58;
	[tilespmem:$0x210] =	vst v2;
	v2 =	vld [tilespmem:$0x150]  }
0x2c: {  	v57 =	vld [tilespmem:$0x120];
	v5 =	vadd.s32 v0, v48;
	[tilespmem:$0x60] =	vst v6  }
0x2d: {  	v55 =	vld [tilespmem:$0x30];
	[tilespmem:$0x220] =	vst v5;
	v1 =	vadd.s32 v0, v1  }
0x2e: {  	v3 =	vadd.s32 v0, v3;
	[tilespmem:$0x1B0] =	vst v1;
	v1 =	vld [tilespmem:$0x110]  }
0x2f: {  	v4 =	vadd.s32 v0, v56;
	[tilespmem:$0x190] =	vst v3;
	v3 =	vld [tilespmem:$0x100]  }
0x30: {  	v59 =	vld [tilespmem:$0x40];
	[tilespmem:$0x130] =	vst v4;
	v2 =	vadd.s32 v0, v2  }
0x31: {  	v7 =	vadd.s32 v0, v57;
	[tilespmem:$0x150] =	vst v2;
	v2 =	vld [tilespmem:$0x50]  }
0x32: {  	v60 =	vld [tilespmem:$0x240];
	v5 =	vadd.s32 v0, v55;
	[tilespmem:$0x120] =	vst v7  }
0x33: {  	v62 =	vld [tilespmem:$0x0];
	[tilespmem:$0x30] =	vst v5;
	v1 =	vadd.s32 v0, v1  }
0x34: {  	v3 =	vadd.s32 v0, v3;
	[tilespmem:$0x110] =	vst v1;
	v1 =	vld [tilespmem:$0x10]  }
0x35: {  	v5 =	vadd.s32 v0, v59;
	[tilespmem:$0x100] =	vst v3;
	v3 =	vld [tilespmem:$0x1A0]  }
0x36: {  	[tilespmem:$0x40] =	vst v5;
	v2 =	vadd.s32 v0, v2  }
0x37: {  	[tilespmem:$0x50] =	vst v2;
	v2 =	vadd.s32 v0, v60  }
0x38: {  	[tilespmem:$0x240] =	vst v2;
	v2 =	vadd.s32 v0, v62  }
0x39: {  	[tilespmem:$0x0] =	vst v2;
	v1 =	vadd.s32 v0, v1  }
0x3a: {  	s13 =	sshll.u32 s0, $0x6;
	s12 =	sadd.s32 s12, s4;
	[tilespmem:$0x10] =	vst v1;
	v1 =	vadd.s32 v0, v3  }
0x3b: {  	s14 =	sadd.s32 $0x9800, s24;
	s15 =	sor.u32 $0x1C01, s13;
	s16 =	sshrl.u32 s12, $0x3;
	[tilespmem:$0x1A0] =	vst v1  }
0x3c: {  	[spmem:s16], [sflag:s15] =	dma.local [hbm:s14], $0x80  }
0x3d: {  	_ =	swait.ge [sflag:s2], $0x80  }
0x3e: {  	[sflag:s2] =	ssyncset.done $0x0  }
0x3f: {  	s17 =	simm.s32 $0x70;
	[sflag:s2] =	ssyncadd.s32 $0xFFFFFF80  }
0x40: {  	[spmem:s4] =	stream.indirect.scatter.add.f32 [tilespmem:s3], [sflag:$0x1], $0x1, s5, s17, $0xb8;
	[tilespmem:$0xD00] =	vst v63  }
0x41: {  	_ =	swait.ge [sflag:s2], $0x70  }
0x42: {  	[sflag:s2] =	ssyncset.done $0x0  }
0x43: {  	s18 =	simm.s32 $0x60;
	[sflag:s2] =	ssyncadd.s32 $0xFFFFFF90  }
0x44: {  	[spmem:s4] =	stream.indirect.scatter.add.f32 [tilespmem:s11], [sflag:$0x1], $0x1, s9, s18, $0xb8;
	[tilespmem:$0xD00] =	vst v63  }
0x45: {  	_ =	swait.ge [sflag:s2], $0x60  }
0x46: {  	[sflag:s2] =	ssyncset.done $0x0  }
0x47: {  	s19 =	simm.s32 $0x180;
	s20 =	simm.s32 $0x380;
	[sflag:s2] =	ssyncadd.s32 $0xFFFFFFA0  }
0x48: {  	[spmem:s4] =	stream.indirect.scatter.add.f32 [tilespmem:s20], [sflag:$0x1], $0x1, s19, s18, $0xb8;
	[tilespmem:$0xD00] =	vst v63  }
0x49: {  	_ =	swait.ge [sflag:s2], $0x60  }
0x4a: {  	[sflag:s2] =	ssyncset.done $0x0  }
0x4b: {  	s21 =	simm.s32 $0x200;
	s13 =	simm.s32 $0x400;
	[sflag:s2] =	ssyncadd.s32 $0xFFFFFFA0  }
0x4c: {  	[spmem:s4] =	stream.indirect.scatter.add.f32 [tilespmem:s13], [sflag:$0x1], $0x1, s21, s18, $0xb8;
	[tilespmem:$0xD00] =	vst v63  }
0x4d: {  	_ =	swait.ge [sflag:s2], $0x60  }
0x4e: {  	[sflag:s2] =	ssyncset.done $0x0  }
0x4f: {  	s22 =	simm.s32 $0x280;
	s23 =	simm.s32 $0x480;
	[sflag:s2] =	ssyncadd.s32 $0xFFFFFFA0  }
0x50: {  	[spmem:s4] =	stream.indirect.scatter.add.f32 [tilespmem:s23], [sflag:$0x1], $0x1, s22, s18, $0xb8;
	[tilespmem:$0xD00] =	vst v63  }
0x51: {  	_ =	swait.ge [sflag:s2], $0x60  }
0x52: {  	[sflag:s2] =	ssyncset.done $0x0  }
0x53: {  	[sflag:s2] =	ssyncadd.s32 $0xFFFFFFA0  }
0x54: {  	_ =	sdelay $0x7ff  }
0x55: {  	_ =	sdelay $0x7ff  }
0x56: {  	_ =	sdelay $0x7ff  }
0x57: {  	_ =	sdelay $0x7ff  }
0x58: {  	_ =	sdelay $0x7ff  }
0x59: {  	_ =	sdelay $0x7ff  }
0x5a: {  	_ =	sdelay $0x7ff  }
0x5b: {  	_ =	sdelay $0x7ff  }
0x5c: {  	_ =	sdelay $0x7ff  }
0x5d: {  	_ =	sdelay $0x7ff  }
0x5e: {  	_ =	sdelay $0x7ff  }
0x5f: {  	_ =	sdelay $0x7ff  }
0x60: {  	_ =	sdelay $0x7ff  }
0x61: {  	_ =	sdelay $0x7ff  }
0x62: {  	_ =	sdelay $0x7ff  }
0x63: {  	_ =	sdelay $0x7ff  }
0x64: {  	_ =	sdelay $0x7ff  }
0x65: {  	_ =	sdelay $0x7ff  }
0x66: {  	_ =	sdelay $0x7ff  }
0x67: {  	_ =	sdelay $0x7ff  }
0x68: {  	_ =	sdelay $0x7ff  }
0x69: {  	_ =	sdelay $0x7ff  }
0x6a: {  	_ =	sdelay $0x7ff  }
0x6b: {  	_ =	sdelay $0x7ff  }
0x6c: {  	_ =	sdelay $0x7ff  }
0x6d: {  	s25 =	ssub.s32 $0x2, s25;
	_ =	sdelay $0x7ff  }
0x6e: {  	s31 =	sshrl.u32 s25, $0x1;
	_ =	sdelay $0x7ff  }
0x6f: {  	s25 =	ssub.s32 s25, s31;
	_ =	sdelay $0x7ff  }
0x70: {  	s25 =	smax.u32 s25, $0x1;
	_ =	sdelay $0x7ff  }
0x71: {  	s28 =	sshll.u32 s0, $0x8;
	p0 =	sne.s32 s25, $0x1;
	_ =	sdelay $0x7ff  }
.Ltmp0:
0x72: {  	s28 =	sand.u32 $0xC00, s28;
	_ =	sdelay $0x7ff;
	(pc) =	sbr.rel @!p0 .LBB2_2-.Ltmp0, $4  }
0x73: {  	s24 =	sadd.s32 s28, s24;
	s26 =	sand.u32 $0x70, s26;
	_ =	sdelay $0x7ff  }
0x74: {  	s24 =	sadd.s32 s26, s24;
	_ =	sdelay $0x7ff  }
0x75: {  	s24 =	sadd.s32 $0x9A00, s24;
	_ =	sdelay $0x7ff  }
0x76: {  	s26 =	sadd.s32 $0xFFFFFFFF, s25;
	s25 =	simm.s32 $0x500;
	_ =	sdelay $0x7ff  }
.LBB2_1:
0x77: {  	p0 =	sne.s32 s26, $0x1;
	s26 =	sadd.s32 $0xFFFFFFFF, s26;
	_ =	sdelay $0x7ff  }
0x78: {  	_ =	sdelay $0x7ff  }
0x79: {  	_ =	sdelay $0x7ff  }
0x7a: {  	_ =	sdelay $0x7ff  }
0x7b: {  	_ =	sdelay $0x7ff  }
0x7c: {  	_ =	sdelay $0x7ff  }
0x7d: {  	_ =	sdelay $0x7ff  }
0x7e: {  	_ =	sdelay $0x7ff  }
0x7f: {  	_ =	sdelay $0x7ff  }
0x80: {  	_ =	sdelay $0x7ff  }
0x81: {  	_ =	sdelay $0x7ff  }
0x82: {  	_ =	sdelay $0x7ff  }
0x83: {  	_ =	sdelay $0x7ff  }
0x84: {  	_ =	sdelay $0x7ff  }
0x85: {  	_ =	sdelay $0x7ff  }
0x86: {  	_ =	sdelay $0x7ff  }
0x87: {  	_ =	sdelay $0x7ff  }
0x88: {  	_ =	sdelay $0x7ff  }
0x89: {  	_ =	sdelay $0x7ff  }
0x8a: {  	_ =	sdelay $0x7ff  }
0x8b: {  	_ =	sdelay $0x7ff  }
0x8c: {  	_ =	sdelay $0x7ff  }
0x8d: {  	_ =	sdelay $0x38  }
0x8e: {  	[tilespmem:s25], [sflag:$0x1] =	stream.linear.gather [spmem:s12], $0x400, $0x38;
	[tilespmem:$0xD00] =	vst v63  }
0x8f: {  	_ =	swait.ge [sflag:s2], $0x400  }
0x90: {  	[sflag:s2] =	ssyncset.done $0x0  }
0x91: {  	[sflag:s2] =	ssyncadd.s32 $0xFFFFFC00  }
0x92: {  	[hbm4b:s24+s3] =	stream.strided.scatter [tilespmem:s25], [sflag:$0x1], $0x400, s13, s3, $0x38;
	[tilespmem:$0xD00] =	vst v63  }
0x93: {  	_ =	swait.ge [sflag:s2], $0x400  }
0x94: {  	[sflag:s2] =	ssyncset.done $0x0  }
0x95: {  	[sflag:s2] =	ssyncadd.s32 $0xFFFFFC00  }
0x96: {  	[tilespmem:s5], [sflag:$0x1] =	stream.linear.gather [hbm4b:s6+s5], $0x80, $0x38;
	[tilespmem:$0xD00] =	vst v63  }
0x97: {  	_ =	swait.ge [sflag:s2], $0x80  }
0x98: {  	[sflag:s2] =	ssyncset.done $0x0  }
0x99: {  	[sflag:s2] =	ssyncadd.s32 $0xFFFFFF80  }
0x9a: {  	[tilespmem:s3], [sflag:$0x1] =	stream.linear.gather [hbm4b:s7+s5], $0x80, $0x38;
	[tilespmem:$0xD00] =	vst v63  }
0x9b: {  	_ =	swait.ge [sflag:s2], $0x80  }
0x9c: {  	[sflag:s2] =	ssyncset.done $0x0  }
0x9d: {  	[sflag:s2] =	ssyncadd.s32 $0xFFFFFF80  }
0x9e: {  	[tilespmem:s9], [sflag:$0x1] =	stream.linear.gather [hbm4b:s8+s5], $0x200, $0x38;
	[tilespmem:$0xD00] =	vst v63  }
0x9f: {  	_ =	swait.ge [sflag:s2], $0x200  }
0xa0: {  	[sflag:s2] =	ssyncset.done $0x0  }
0xa1: {  	[sflag:s2] =	ssyncadd.s32 $0xFFFFFE00  }
0xa2: {  	[tilespmem:s11], [sflag:$0x1] =	stream.linear.gather [hbm4b:s10+s5], $0x200, $0x38;
	[tilespmem:$0xD00] =	vst v63  }
0xa3: {  	_ =	swait.ge [sflag:s2], $0x200  }
0xa4: {  	[sflag:s2] =	ssyncset.done $0x0  }
0xa5: {  	[sflag:s2] =	ssyncadd.s32 $0xFFFFFE00  }
0xa6: {  	v1 =	vld [tilespmem:$0x2D0]  }
0xa7: {  	v2 =	vld [tilespmem:$0x2A0]  }
0xa8: {  	v3 =	vld [tilespmem:$0x2C0]  }
0xa9: {  	v4 =	vld [tilespmem:$0x2B0]  }
0xaa: {  	v5 =	vld [tilespmem:$0x200]  }
0xab: {  	v6 =	vld [tilespmem:$0x290];
	v1 =	vadd.s32 v0, v1  }
0xac: {  	v7 =	vld [tilespmem:$0x280];
	v2 =	vadd.s32 v0, v2;
	[tilespmem:$0x2D0] =	vst v1  }
0xad: {  	v1 =	vld [tilespmem:$0x250];
	[tilespmem:$0x2A0] =	vst v2;
	v2 =	vadd.s32 v0, v3  }
0xae: {  	v3 =	vld [tilespmem:$0x230];
	v4 =	vadd.s32 v0, v4;
	[tilespmem:$0x2C0] =	vst v2  }
0xaf: {  	v2 =	vadd.s32 v0, v5;
	v5 =	vld [tilespmem:$0x220];
	[tilespmem:$0x2B0] =	vst v4  }
0xb0: {  	[tilespmem:$0x200] =	vst v2;
	v2 =	vld [tilespmem:$0x210];
	v4 =	vadd.s32 v0, v6  }
0xb1: {  	v6 =	vld [tilespmem:$0x140];
	v7 =	vadd.s32 v0, v7;
	[tilespmem:$0x290] =	vst v4  }
0xb2: {  	v4 =	vld [tilespmem:$0x1D0];
	v1 =	vadd.s32 v0, v1;
	[tilespmem:$0x280] =	vst v7  }
0xb3: {  	v7 =	vld [tilespmem:$0x1C0];
	v3 =	vadd.s32 v0, v3;
	[tilespmem:$0x250] =	vst v1  }
0xb4: {  	v1 =	vld [tilespmem:$0x1B0];
	v5 =	vadd.s32 v0, v5;
	[tilespmem:$0x230] =	vst v3  }
0xb5: {  	v3 =	vld [tilespmem:$0x190];
	v2 =	vadd.s32 v0, v2;
	[tilespmem:$0x220] =	vst v5  }
0xb6: {  	v5 =	vadd.s32 v0, v6;
	v6 =	vld [tilespmem:$0x180];
	[tilespmem:$0x210] =	vst v2  }
0xb7: {  	[tilespmem:$0x140] =	vst v5;
	v2 =	vld [tilespmem:$0x150];
	v4 =	vadd.s32 v0, v4  }
0xb8: {  	v5 =	vld [tilespmem:$0x30];
	v7 =	vadd.s32 v0, v7;
	[tilespmem:$0x1D0] =	vst v4  }
0xb9: {  	v4 =	vld [tilespmem:$0x130];
	v1 =	vadd.s32 v0, v1;
	[tilespmem:$0x1C0] =	vst v7  }
0xba: {  	v7 =	vld [tilespmem:$0x120];
	v3 =	vadd.s32 v0, v3;
	[tilespmem:$0x1B0] =	vst v1  }
0xbb: {  	v1 =	vld [tilespmem:$0x110];
	v6 =	vadd.s32 v0, v6;
	[tilespmem:$0x190] =	vst v3  }
0xbc: {  	v3 =	vld [tilespmem:$0x100];
	v2 =	vadd.s32 v0, v2;
	[tilespmem:$0x180] =	vst v6  }
0xbd: {  	v5 =	vadd.s32 v0, v5;
	v6 =	vld [tilespmem:$0x60];
	[tilespmem:$0x150] =	vst v2  }
0xbe: {  	[tilespmem:$0x30] =	vst v5;
	v2 =	vld [tilespmem:$0x50];
	v4 =	vadd.s32 v0, v4  }
0xbf: {  	v5 =	vld [tilespmem:$0x40];
	v7 =	vadd.s32 v0, v7;
	[tilespmem:$0x130] =	vst v4  }
0xc0: {  	v1 =	vadd.s32 v0, v1;
	[tilespmem:$0x120] =	vst v7;
	v4 =	vld [tilespmem:$0x240]  }
0xc1: {  	v7 =	vld [tilespmem:$0x20];
	v3 =	vadd.s32 v0, v3;
	[tilespmem:$0x110] =	vst v1  }
0xc2: {  	v1 =	vld [tilespmem:$0x10];
	v6 =	vadd.s32 v0, v6;
	[tilespmem:$0x100] =	vst v3  }
0xc3: {  	v2 =	vadd.s32 v0, v2;
	[tilespmem:$0x60] =	vst v6;
	v3 =	vld [tilespmem:$0x1A0]  }
0xc4: {  	v6 =	vld [tilespmem:$0x0];
	v5 =	vadd.s32 v0, v5;
	[tilespmem:$0x50] =	vst v2  }
0xc5: {  	[tilespmem:$0x40] =	vst v5;
	v2 =	vadd.s32 v0, v4  }
0xc6: {  	v4 =	vadd.s32 v0, v7;
	[tilespmem:$0x240] =	vst v2  }
0xc7: {  	v1 =	vadd.s32 v0, v1;
	[tilespmem:$0x20] =	vst v4  }
0xc8: {  	[tilespmem:$0x10] =	vst v1;
	v1 =	vadd.s32 v0, v3  }
0xc9: {  	v2 =	vadd.s32 v0, v6;
	[tilespmem:$0x1A0] =	vst v1  }
0xca: {  	[tilespmem:$0x0] =	vst v2  }
0xcb: {  	[spmem:s16], [sflag:s15] =	dma.local [hbm:s14], $0x80  }
0xcc: {  	_ =	swait.ge [sflag:s2], $0x80  }
0xcd: {  	[sflag:s2] =	ssyncset.done $0x0  }
0xce: {  	[sflag:s2] =	ssyncadd.s32 $0xFFFFFF80  }
0xcf: {  	[spmem:s4] =	stream.indirect.scatter.add.f32 [tilespmem:s3], [sflag:$0x1], $0x1, s5, s17, $0xb8;
	[tilespmem:$0xD00] =	vst v63  }
0xd0: {  	_ =	swait.ge [sflag:s2], $0x70  }
0xd1: {  	[sflag:s2] =	ssyncset.done $0x0  }
0xd2: {  	[sflag:s2] =	ssyncadd.s32 $0xFFFFFF90  }
0xd3: {  	[spmem:s4] =	stream.indirect.scatter.add.f32 [tilespmem:s11], [sflag:$0x1], $0x1, s9, s18, $0xb8;
	[tilespmem:$0xD00] =	vst v63  }
0xd4: {  	_ =	swait.ge [sflag:s2], $0x60  }
0xd5: {  	[sflag:s2] =	ssyncset.done $0x0  }
0xd6: {  	[sflag:s2] =	ssyncadd.s32 $0xFFFFFFA0  }
0xd7: {  	[spmem:s4] =	stream.indirect.scatter.add.f32 [tilespmem:s20], [sflag:$0x1], $0x1, s19, s18, $0xb8;
	[tilespmem:$0xD00] =	vst v63  }
0xd8: {  	_ =	swait.ge [sflag:s2], $0x60  }
0xd9: {  	[sflag:s2] =	ssyncset.done $0x0  }
0xda: {  	[sflag:s2] =	ssyncadd.s32 $0xFFFFFFA0  }
0xdb: {  	[spmem:s4] =	stream.indirect.scatter.add.f32 [tilespmem:s13], [sflag:$0x1], $0x1, s21, s18, $0xb8;
	[tilespmem:$0xD00] =	vst v63  }
0xdc: {  	_ =	swait.ge [sflag:s2], $0x60  }
0xdd: {  	[sflag:s2] =	ssyncset.done $0x0  }
0xde: {  	[sflag:s2] =	ssyncadd.s32 $0xFFFFFFA0  }
0xdf: {  	[spmem:s4] =	stream.indirect.scatter.add.f32 [tilespmem:s23], [sflag:$0x1], $0x1, s22, s18, $0xb8;
	[tilespmem:$0xD00] =	vst v63  }
0xe0: {  	_ =	swait.ge [sflag:s2], $0x60  }
0xe1: {  	[sflag:s2] =	ssyncset.done $0x0  }
0xe2: {  	[sflag:s2] =	ssyncadd.s32 $0xFFFFFFA0  }
0xe3: {  	_ =	sdelay $0x7ff  }
0xe4: {  	_ =	sdelay $0x7ff  }
0xe5: {  	_ =	sdelay $0x7ff  }
0xe6: {  	_ =	sdelay $0x7ff  }
0xe7: {  	_ =	sdelay $0x7ff  }
0xe8: {  	_ =	sdelay $0x7ff  }
0xe9: {  	_ =	sdelay $0x7ff  }
0xea: {  	_ =	sdelay $0x7ff  }
0xeb: {  	_ =	sdelay $0x7ff  }
0xec: {  	_ =	sdelay $0x7ff  }
0xed: {  	_ =	sdelay $0x7ff  }
0xee: {  	_ =	sdelay $0x7ff  }
0xef: {  	_ =	sdelay $0x7ff  }
0xf0: {  	_ =	sdelay $0x7ff  }
0xf1: {  	_ =	sdelay $0x7ff  }
0xf2: {  	_ =	sdelay $0x7ff  }
0xf3: {  	_ =	sdelay $0x7ff  }
0xf4: {  	_ =	sdelay $0x7ff  }
0xf5: {  	_ =	sdelay $0x7ff  }
0xf6: {  	_ =	sdelay $0x7ff  }
0xf7: {  	_ =	sdelay $0x7ff  }
0xf8: {  	_ =	sdelay $0x7ff  }
0xf9: {  	_ =	sdelay $0x7ff  }
0xfa: {  	_ =	sdelay $0x7ff  }
0xfb: {  	_ =	sdelay $0x7ff  }
0xfc: {  	_ =	sdelay $0x7ff  }
0xfd: {  	_ =	sdelay $0x7ff  }
0xfe: {  	_ =	sdelay $0x7ff  }
0xff: {  	_ =	sdelay $0x7ff  }
0x100: {  	_ =	sdelay $0x7ff  }
.Ltmp1:
0x101: {  	_ =	sdelay $0x7ff;
	(pc) =	sbr.rel @p0 .LBB2_1-.Ltmp1, $4  }
0x102: {  	_ =	sdelay $0x7ff  }
0x103: {  	_ =	sdelay $0x7ff  }
0x104: {  	_ =	sdelay $0x7ff  }
0x105: {  	_ =	sdelay $0x7ff  }
.LBB2_2:
0x106: {  	_ =	sdelay $0x7ff  }
0x107: {  	_ =	sdelay $0x7ff  }
0x108: {  	_ =	sdelay $0x7ff  }
0x109: {  	_ =	sdelay $0x7ff  }
0x10a: {  	_ =	sdelay $0x7ff  }
0x10b: {  	_ =	sdelay $0x7ff  }
0x10c: {  	_ =	sdelay $0x7ff  }
0x10d: {  	_ =	sdelay $0x7ff  }
0x10e: {  	_ =	sdelay $0x7ff  }
0x10f: {  	_ =	sdelay $0x7ff  }
0x110: {  	_ =	sdelay $0x7ff  }
0x111: {  	_ =	sdelay $0x7ff  }
0x112: {  	_ =	sdelay $0x7ff  }
0x113: {  	_ =	sdelay $0x7ff  }
0x114: {  	_ =	sdelay $0x7ff  }
0x115: {  	_ =	sdelay $0x7ff  }
0x116: {  	_ =	sdelay $0x7ff  }
0x117: {  	_ =	sdelay $0x7ff  }
0x118: {  	_ =	sdelay $0x7ff  }
0x119: {  	_ =	sdelay $0x7ff  }
0x11a: {  	_ =	sdelay $0x7ff  }
0x11b: {  	_ =	sdelay $0x7ff  }
0x11c: {  	_ =	sdelay $0x38  }
0x11d: {  	[tilespmem:s25], [sflag:$0x1] =	stream.linear.gather [spmem:s12], $0x400, $0x38;
	[tilespmem:$0xD00] =	vst v63  }
0x11e: {  	_ =	swait.ge [sflag:s2], $0x400  }
0x11f: {  	[sflag:s2] =	ssyncset.done $0x0  }
0x120: {  	[sflag:s2] =	ssyncadd.s32 $0xFFFFFC00  }
0x121: {  	[hbm4b:s24+s3] =	stream.strided.scatter [tilespmem:s25], [sflag:$0x1], $0x400, s13, s3, $0x38;
	[tilespmem:$0xD00] =	vst v63  }
0x122: {  	_ =	swait.ge [sflag:s2], $0x400  }
0x123: {  	[sflag:s2] =	ssyncset.done $0x0  }
0x124: {  	[sflag:s2] =	ssyncadd.s32 $0xFFFFFC00  }
0x125: {  	_ =	sfence.sel $0x180000  }
0x126: {  	[bflag:$0x0] =	sbarrier.arrive $0xFFFF  }
0x127: {  	p0 =	sne.s32 s0, $0x0;
	_ =	strace $0x90000047  }
0x128: {  	s0 =	sadd.s32 @!p0 $0x100000, s1;
	[bflag:$0x2] =	sbarrier.arrive $0xFFFF  }
0x129: {  	[sflag:s0] =	ssyncadd.tile.s32 @!p0 $0x1;
	_ =	shalt  }
.Lfunc_end2:
_tile_overlayer_lowered:
.L_overlay_start_2:
0x12a: {  	(tag) =	ssettag $0x2  }
0x12b: {  	s0 =	rddreg [dreg:$0x0];
	s2 =	stileid.u32  }
0x12c: {  	s1 =	rddreg [dreg:$0x1];
	p0 =	sne.s32 s2, $0x0  }
0x12d: {  	s3 =	rddreg [dreg:$0x2];
	[bflag:$0x3] =	sbarrier.arrive $0xFFFF;
	s2 =	simm.s32 @!p0 $0x1C01  }
0x12e: {  	[timem:s3], [sflag:s2] =	dma.local @!p0 [hbm:s0], s1  }
0x12f: {  	s0 =	simm.s32 @!p0 $0x1  }
0x130: {  	_ =	swait.ge @!p0 [sflag:s0], s1  }
0x131: {  	s1 =	ssub.s32 @!p0 $0x0, s1;
	[sflag:s0] =	ssyncset.done @!p0 $0x0  }
0x132: {  	[sflag:s0] =	ssyncadd.s32 @!p0 s1  }
0x133: {  	[bflag:$0x3] =	sbarrier.arrive $0xFFFF  }
0x134: {  	_ =	shalt  }

</sc_bundles>
